<compile_context>
chip_gen: v7x
topology: tpu7x:2x2x1
jax: 0.10.2.dev20260603
libtpu: 0.0.44.dev20260713+nightly
codegen_flags: <defaults>
</compile_context>

<pallas_src>
import jax
import jax.numpy as jnp
from jax.experimental import pallas as pl
from jax.experimental.pallas import tpu as pltpu
from jax.experimental.pallas import tpu_sc as plsc

M = 4096
N = 4096
BI = 256
_NB = M // BI
_NROW = 2 * _NB
_SUB = N // 128
_NIDX = _NROW * _SUB
_WIN = 128


def _halo_gather(d):

    @pl.kernel(
        out_type=jax.ShapeDtypeStruct((_NROW, N), jnp.float32),
        mesh=plsc.ScalarSubcoreMesh(axis_name="c", num_cores=2),
        scratch_types=[pltpu.SemaphoreType.DMA],
    )
    def gather_kernel(d_hbm, o_hbm, sem):
        core = jax.lax.axis_index("c")
        handles = []
        for k in range(_NB):
            r = core * _NB + k
            src = jnp.where(
                r < _NB, (r * BI + M - 1) % M, ((r - (_NB - 1)) * BI) % M
            )
            handles.append(pltpu.async_copy(d_hbm.at[src], o_hbm.at[r], sem))
        for h in handles:
            h.wait()

    return gather_kernel(d)


def _stencil_kernel(thr_ref, topA_ref, topD_ref, bot_ref, d_ref, out_ref):
    i = pl.program_id(0)
    t = thr_ref[0]
    c = d_ref[...]
    topA = topA_ref[0]
    topD = topD_ref[0]
    bot = bot_ref[0]

    inf = jnp.float32(jnp.inf)
    infcol = jnp.full((BI, 1), inf, jnp.float32)
    infcol1 = jnp.full((1, 1), inf, jnp.float32)

    cL = jnp.concatenate([infcol, c[:, :-1]], axis=1)
    tAL = jnp.concatenate([infcol1, topA[:, :-1]], axis=1)
    bL = jnp.concatenate([infcol1, bot[:, :-1]], axis=1)
    cR = jnp.concatenate([c[:, 1:], c[:, :1]], axis=1)
    tDR = jnp.concatenate([topD[:, 1:], topD[:, :1]], axis=1)
    cRC = jnp.concatenate([c[:, 1:], infcol], axis=1)
    bRC = jnp.concatenate([bot[:, 1:], infcol1], axis=1)

    upAL = jnp.concatenate([tAL, cL[:-1, :]], axis=0)
    dnL = jnp.concatenate([cL[1:, :], bL], axis=0)
    dnRC = jnp.concatenate([cRC[1:, :], bRC], axis=0)
    upDR = jnp.concatenate([tDR, cR[:-1, :]], axis=0)

    cA = jnp.abs(upAL - c) <= t
    cB = jnp.abs(dnL - c) <= t
    cC = jnp.abs(dnRC - c) <= t
    cD = jnp.abs(upDR - c) <= t

    row = jax.lax.broadcasted_iota(jnp.int32, (BI, N), 0)
    lanes = jax.lax.broadcasted_iota(jnp.int32, (BI, N), 1)
    mB = (row >= 1 - i * BI) & (lanes <= N - 2)

    combined = (cA | (cB & mB)) | (cC | cD)
    out_ref[...] = combined.astype(jnp.int8).T != 0


def kernel(d_noised, threshold):
    nb = M // BI
    starts = jnp.arange(nb) * BI
    inf_row = jnp.full((1, N), jnp.inf, jnp.float32)
    del starts
    g = _halo_gather(d_noised)
    topD_rows = g[0:nb]
    topA_rows = jnp.concatenate([inf_row, g[1:nb]], axis=0)
    bot_rows = jnp.concatenate([g[nb : 2 * nb - 1], inf_row], axis=0)
    thr = jnp.reshape(threshold, (1,))

    out = pl.pallas_call(
        _stencil_kernel,
        grid=(nb,),
        in_specs=[
            pl.BlockSpec(memory_space=pltpu.SMEM),
            pl.BlockSpec((1, 1, N), lambda i: (i, 0, 0)),
            pl.BlockSpec((1, 1, N), lambda i: (i, 0, 0)),
            pl.BlockSpec((1, 1, N), lambda i: (i, 0, 0)),
            pl.BlockSpec((BI, N), lambda i: (i, 0)),
        ],
        out_specs=pl.BlockSpec((N, BI), lambda i: (0, i)),
        out_shape=jax.ShapeDtypeStruct((N, M), jnp.bool_),
        compiler_params=pltpu.CompilerParams(
            dimension_semantics=("arbitrary",),
        ),
    )(
        thr,
        topA_rows.reshape(nb, 1, N),
        topD_rows.reshape(nb, 1, N),
        bot_rows.reshape(nb, 1, N),
        d_noised,
    )
    return out

# --- scband reference (transcript-rebuilt; emitter-appended) ---
"""Pipeline reference for scband-recon-graph-50611894616772 (READ-ONLY COPY).

The authoritative reference and input builder live on the scoring server;
editing this copy changes nothing except your own understanding.
"""

import jax, jax.numpy as jnp
import numpy as np

M = 4096
N = 4096

def setup_inputs(seed: int = 0) -> dict:
    key = jax.random.key(seed)
    k1, _ = jax.random.split(key)
    d_noised = jax.random.normal(k1, (M, N), dtype=jnp.float32)
    threshold = jnp.ones((), dtype=jnp.float32)
    return {"d_noised": d_noised, "threshold": threshold}

def reference(d_noised, threshold):
    # Vectorized, faithful-in-math translation of the original per-pixel loops.
    # Original loops: dx, dy in {-1, 1} (diagonal neighbors only, since dx != 0 and dy != 0).
    # Validity conditions exactly as written: (i+dx >= 0) and (i+dy < m) and (j+dx >= 0) and (j+dy < n).
    # Neighbor value read: d[i+dy][j+dx] (Python negative indices wrap -> emulated with modular take).
    # The original adjacency write adjacency[(j,i)][(j+dx,j+dy)] = 1 effectively marks entry [j, i]
    # (the second chained index on a 0-d tensor is degenerate), so adjacency = any-neighbor-mask transposed.
    m, n = M, N
    ii = jnp.arange(m)
    jj = jnp.arange(n)
    combined = jnp.zeros((m, n), dtype=bool)
    for dx in (-1, 1):
        for dy in (-1, 1):
            valid_i = (ii + dx >= 0) & (ii + dy < m)
            valid_j = (jj + dx >= 0) & (jj + dy < n)
            valid = valid_i[:, None] & valid_j[None, :]
            rows = jnp.mod(ii + dy, m)
            cols = jnp.mod(jj + dx, n)
            shifted = jnp.take(jnp.take(d_noised, rows, axis=0), cols, axis=1)
            close = jnp.abs(shifted - d_noised) <= threshold
            combined = combined | (valid & close)
    adjacency_matrix = combined.T  # entry [j, i] set when pixel (i, j) has a close diagonal neighbor
    return adjacency_matrix

if __name__ == "__main__":
    import jax
    _d = setup_inputs()
    print(jax.jit(kernel)(*tuple(_d.values())))

</pallas_src>

<mosaic_0001>
#map = affine_map<(d0) -> (0, 0)>
module attributes {stable_mosaic.version = 14 : i64} {
  func.func @gather_kernel(%arg0: i32, %arg1: memref<4096x4096xf32, #tpu.memory_space<hbm>>, %arg2: memref<32x4096xf32, #tpu.memory_space<hbm>>, %arg3: memref<!tpu.dma_semaphore, #tpu.memory_space<semaphore_mem>>) attributes {dimension_semantics = [#tpu.dimension_semantics<core_parallel>], iteration_bounds = array<i64: 2>, scalar_prefetch = 0 : i64, scratch_operands = 1 : i64, tpu.core_type = #tpu.core_type<sc_scalar_subcore>, window_params = [{transform_indices = #map}, {transform_indices = #map}]} {
    %mul3A = arith.constant 16 : i32
    %mul3A_0 = arith.muli %arg0, %mul3A : i32
    %add3A = arith.constant 0 : i32
    %add3A_1 = arith.addi %mul3A_0, %add3A : i32
    %lt3A = arith.constant 16 : i32
    %lt3A_2 = arith.cmpi slt, %add3A_1, %lt3A : i32
    %mul3A_3 = arith.constant 256 : i32
    %mul3A_4 = arith.muli %add3A_1, %mul3A_3 : i32
    %add3A_5 = arith.constant 4096 : i32
    %add3A_6 = arith.addi %mul3A_4, %add3A_5 : i32
    %sub3A = arith.constant 1 : i32
    %sub3A_7 = arith.subi %add3A_6, %sub3A : i32
    %jit3A = arith.constant 4096 : i32
    %eq3A = arith.constant 0 : i32
    %eq3A_8 = arith.cmpi eq, %jit3A, %eq3A : i32
    %jit3A_9 = arith.constant 1 : i32
    %select_n3A = arith.select %eq3A_8, %jit3A_9, %jit3A : i32
    %rem3A = arith.remsi %sub3A_7, %select_n3A : i32
    %ne3A = arith.constant 0 : i32
    %ne3A_10 = arith.cmpi ne, %rem3A, %ne3A : i32
    %lt3A_11 = arith.constant 0 : i32
    %lt3A_12 = arith.cmpi slt, %rem3A, %lt3A_11 : i32
    %lt3A_13 = arith.constant 0 : i32
    %lt3A_14 = arith.cmpi slt, %select_n3A, %lt3A_13 : i32
    %ne3A_15 = arith.xori %lt3A_12, %lt3A_14 : i1
    %and3A = arith.andi %ne3A_15, %ne3A_10 : i1
    %add3A_16 = arith.addi %rem3A, %select_n3A : i32
    %select_n3A_17 = arith.select %and3A, %add3A_16, %rem3A : i32
    %sub3A_18 = arith.constant 15 : i32
    %sub3A_19 = arith.subi %add3A_1, %sub3A_18 : i32
    %mul3A_20 = arith.constant 256 : i32
    %mul3A_21 = arith.muli %sub3A_19, %mul3A_20 : i32
    %jit3A_22 = arith.constant 4096 : i32
    %eq3A_23 = arith.constant 0 : i32
    %eq3A_24 = arith.cmpi eq, %jit3A_22, %eq3A_23 : i32
    %jit3A_25 = arith.constant 1 : i32
    %select_n3A_26 = arith.select %eq3A_24, %jit3A_25, %jit3A_22 : i32
    %rem3A_27 = arith.remsi %mul3A_21, %select_n3A_26 : i32
    %ne3A_28 = arith.constant 0 : i32
    %ne3A_29 = arith.cmpi ne, %rem3A_27, %ne3A_28 : i32
    %lt3A_30 = arith.constant 0 : i32
    %lt3A_31 = arith.cmpi slt, %rem3A_27, %lt3A_30 : i32
    %lt3A_32 = arith.constant 0 : i32
    %lt3A_33 = arith.cmpi slt, %select_n3A_26, %lt3A_32 : i32
    %ne3A_34 = arith.xori %lt3A_31, %lt3A_33 : i1
    %and3A_35 = arith.andi %ne3A_34, %ne3A_29 : i1
    %add3A_36 = arith.addi %rem3A_27, %select_n3A_26 : i32
    %select_n3A_37 = arith.select %and3A_35, %add3A_36, %rem3A_27 : i32
    %select_n3A_38 = arith.select %lt3A_2, %select_n3A_17, %select_n3A_37 : i32
    %dma_start3A = arith.constant 0 : i32
    %dma_start3A_39 = tpu.memref_slice %arg2[%add3A_1, %dma_start3A] : memref<32x4096xf32, #tpu.memory_space<hbm>> -> memref<1x4096xf32, #tpu.memory_space<hbm>>
    %dma_start3A_40 = tpu.memref_squeeze %dma_start3A_39 : memref<1x4096xf32, #tpu.memory_space<hbm>> -> memref<4096xf32, #tpu.memory_space<hbm>>
    %dma_start3A_41 = arith.constant 0 : i32
    %dma_start3A_42 = tpu.memref_slice %arg1[%select_n3A_38, %dma_start3A_41] : memref<4096x4096xf32, #tpu.memory_space<hbm>> -> memref<1x4096xf32, #tpu.memory_space<hbm>>
    %dma_start3A_43 = tpu.memref_squeeze %dma_start3A_42 : memref<1x4096xf32, #tpu.memory_space<hbm>> -> memref<4096xf32, #tpu.memory_space<hbm>>
    tpu.enqueue_dma source(%dma_start3A_43 : memref<4096xf32, #tpu.memory_space<hbm>>) target(%dma_start3A_40 : memref<4096xf32, #tpu.memory_space<hbm>>) target_semaphore(%arg3 : memref<!tpu.dma_semaphore, #tpu.memory_space<semaphore_mem>>)
    %mul3A_44 = arith.constant 16 : i32
    %mul3A_45 = arith.muli %arg0, %mul3A_44 : i32
    %add3A_46 = arith.constant 1 : i32
    %add3A_47 = arith.addi %mul3A_45, %add3A_46 : i32
    %lt3A_48 = arith.constant 16 : i32
    %lt3A_49 = arith.cmpi slt, %add3A_47, %lt3A_48 : i32
    %mul3A_50 = arith.constant 256 : i32
    %mul3A_51 = arith.muli %add3A_47, %mul3A_50 : i32
    %add3A_52 = arith.constant 4096 : i32
    %add3A_53 = arith.addi %mul3A_51, %add3A_52 : i32
    %sub3A_54 = arith.constant 1 : i32
    %sub3A_55 = arith.subi %add3A_53, %sub3A_54 : i32
    %jit3A_56 = arith.constant 4096 : i32
    %eq3A_57 = arith.constant 0 : i32
    %eq3A_58 = arith.cmpi eq, %jit3A_56, %eq3A_57 : i32
    %jit3A_59 = arith.constant 1 : i32
    %select_n3A_60 = arith.select %eq3A_58, %jit3A_59, %jit3A_56 : i32
    %rem3A_61 = arith.remsi %sub3A_55, %select_n3A_60 : i32
    %ne3A_62 = arith.constant 0 : i32
    %ne3A_63 = arith.cmpi ne, %rem3A_61, %ne3A_62 : i32
    %lt3A_64 = arith.constant 0 : i32
    %lt3A_65 = arith.cmpi slt, %rem3A_61, %lt3A_64 : i32
    %lt3A_66 = arith.constant 0 : i32
    %lt3A_67 = arith.cmpi slt, %select_n3A_60, %lt3A_66 : i32
    %ne3A_68 = arith.xori %lt3A_65, %lt3A_67 : i1
    %and3A_69 = arith.andi %ne3A_68, %ne3A_63 : i1
    %add3A_70 = arith.addi %rem3A_61, %select_n3A_60 : i32
    %select_n3A_71 = arith.select %and3A_69, %add3A_70, %rem3A_61 : i32
    %sub3A_72 = arith.constant 15 : i32
    %sub3A_73 = arith.subi %add3A_47, %sub3A_72 : i32
    %mul3A_74 = arith.constant 256 : i32
    %mul3A_75 = arith.muli %sub3A_73, %mul3A_74 : i32
    %jit3A_76 = arith.constant 4096 : i32
    %eq3A_77 = arith.constant 0 : i32
    %eq3A_78 = arith.cmpi eq, %jit3A_76, %eq3A_77 : i32
    %jit3A_79 = arith.constant 1 : i32
    %select_n3A_80 = arith.select %eq3A_78, %jit3A_79, %jit3A_76 : i32
    %rem3A_81 = arith.remsi %mul3A_75, %select_n3A_80 : i32
    %ne3A_82 = arith.constant 0 : i32
    %ne3A_83 = arith.cmpi ne, %rem3A_81, %ne3A_82 : i32
    %lt3A_84 = arith.constant 0 : i32
    %lt3A_85 = arith.cmpi slt, %rem3A_81, %lt3A_84 : i32
    %lt3A_86 = arith.constant 0 : i32
    %lt3A_87 = arith.cmpi slt, %select_n3A_80, %lt3A_86 : i32
    %ne3A_88 = arith.xori %lt3A_85, %lt3A_87 : i1
    %and3A_89 = arith.andi %ne3A_88, %ne3A_83 : i1
    %add3A_90 = arith.addi %rem3A_81, %select_n3A_80 : i32
    %select_n3A_91 = arith.select %and3A_89, %add3A_90, %rem3A_81 : i32
    %select_n3A_92 = arith.select %lt3A_49, %select_n3A_71, %select_n3A_91 : i32
    %dma_start3A_93 = arith.constant 0 : i32
    %dma_start3A_94 = tpu.memref_slice %arg2[%add3A_47, %dma_start3A_93] : memref<32x4096xf32, #tpu.memory_space<hbm>> -> memref<1x4096xf32, #tpu.memory_space<hbm>>
    %dma_start3A_95 = tpu.memref_squeeze %dma_start3A_94 : memref<1x4096xf32, #tpu.memory_space<hbm>> -> memref<4096xf32, #tpu.memory_space<hbm>>
    %dma_start3A_96 = arith.constant 0 : i32
    %dma_start3A_97 = tpu.memref_slice %arg1[%select_n3A_92, %dma_start3A_96] : memref<4096x4096xf32, #tpu.memory_space<hbm>> -> memref<1x4096xf32, #tpu.memory_space<hbm>>
    %dma_start3A_98 = tpu.memref_squeeze %dma_start3A_97 : memref<1x4096xf32, #tpu.memory_space<hbm>> -> memref<4096xf32, #tpu.memory_space<hbm>>
    tpu.enqueue_dma source(%dma_start3A_98 : memref<4096xf32, #tpu.memory_space<hbm>>) target(%dma_start3A_95 : memref<4096xf32, #tpu.memory_space<hbm>>) target_semaphore(%arg3 : memref<!tpu.dma_semaphore, #tpu.memory_space<semaphore_mem>>)
    %mul3A_99 = arith.constant 16 : i32
    %mul3A_100 = arith.muli %arg0, %mul3A_99 : i32
    %add3A_101 = arith.constant 2 : i32
    %add3A_102 = arith.addi %mul3A_100, %add3A_101 : i32
    %lt3A_103 = arith.constant 16 : i32
    %lt3A_104 = arith.cmpi slt, %add3A_102, %lt3A_103 : i32
    %mul3A_105 = arith.constant 256 : i32
    %mul3A_106 = arith.muli %add3A_102, %mul3A_105 : i32
    %add3A_107 = arith.constant 4096 : i32
    %add3A_108 = arith.addi %mul3A_106, %add3A_107 : i32
    %sub3A_109 = arith.constant 1 : i32
    %sub3A_110 = arith.subi %add3A_108, %sub3A_109 : i32
    %jit3A_111 = arith.constant 4096 : i32
    %eq3A_112 = arith.constant 0 : i32
    %eq3A_113 = arith.cmpi eq, %jit3A_111, %eq3A_112 : i32
    %jit3A_114 = arith.constant 1 : i32
    %select_n3A_115 = arith.select %eq3A_113, %jit3A_114, %jit3A_111 : i32
    %rem3A_116 = arith.remsi %sub3A_110, %select_n3A_115 : i32
    %ne3A_117 = arith.constant 0 : i32
    %ne3A_118 = arith.cmpi ne, %rem3A_116, %ne3A_117 : i32
    %lt3A_119 = arith.constant 0 : i32
    %lt3A_120 = arith.cmpi slt, %rem3A_116, %lt3A_119 : i32
    %lt3A_121 = arith.constant 0 : i32
    %lt3A_122 = arith.cmpi slt, %select_n3A_115, %lt3A_121 : i32
    %ne3A_123 = arith.xori %lt3A_120, %lt3A_122 : i1
    %and3A_124 = arith.andi %ne3A_123, %ne3A_118 : i1
    %add3A_125 = arith.addi %rem3A_116, %select_n3A_115 : i32
    %select_n3A_126 = arith.select %and3A_124, %add3A_125, %rem3A_116 : i32
    %sub3A_127 = arith.constant 15 : i32
    %sub3A_128 = arith.subi %add3A_102, %sub3A_127 : i32
    %mul3A_129 = arith.constant 256 : i32
    %mul3A_130 = arith.muli %sub3A_128, %mul3A_129 : i32
    %jit3A_131 = arith.constant 4096 : i32
    %eq3A_132 = arith.constant 0 : i32
    %eq3A_133 = arith.cmpi eq, %jit3A_131, %eq3A_132 : i32
    %jit3A_134 = arith.constant 1 : i32
    %select_n3A_135 = arith.select %eq3A_133, %jit3A_134, %jit3A_131 : i32
    %rem3A_136 = arith.remsi %mul3A_130, %select_n3A_135 : i32
    %ne3A_137 = arith.constant 0 : i32
    %ne3A_138 = arith.cmpi ne, %rem3A_136, %ne3A_137 : i32
    %lt3A_139 = arith.constant 0 : i32
    %lt3A_140 = arith.cmpi slt, %rem3A_136, %lt3A_139 : i32
    %lt3A_141 = arith.constant 0 : i32
    %lt3A_142 = arith.cmpi slt, %select_n3A_135, %lt3A_141 : i32
    %ne3A_143 = arith.xori %lt3A_140, %lt3A_142 : i1
    %and3A_144 = arith.andi %ne3A_143, %ne3A_138 : i1
    %add3A_145 = arith.addi %rem3A_136, %select_n3A_135 : i32
    %select_n3A_146 = arith.select %and3A_144, %add3A_145, %rem3A_136 : i32
    %select_n3A_147 = arith.select %lt3A_104, %select_n3A_126, %select_n3A_146 : i32
    %dma_start3A_148 = arith.constant 0 : i32
    %dma_start3A_149 = tpu.memref_slice %arg2[%add3A_102, %dma_start3A_148] : memref<32x4096xf32, #tpu.memory_space<hbm>> -> memref<1x4096xf32, #tpu.memory_space<hbm>>
    %dma_start3A_150 = tpu.memref_squeeze %dma_start3A_149 : memref<1x4096xf32, #tpu.memory_space<hbm>> -> memref<4096xf32, #tpu.memory_space<hbm>>
    %dma_start3A_151 = arith.constant 0 : i32
    %dma_start3A_152 = tpu.memref_slice %arg1[%select_n3A_147, %dma_start3A_151] : memref<4096x4096xf32, #tpu.memory_space<hbm>> -> memref<1x4096xf32, #tpu.memory_space<hbm>>
    %dma_start3A_153 = tpu.memref_squeeze %dma_start3A_152 : memref<1x4096xf32, #tpu.memory_space<hbm>> -> memref<4096xf32, #tpu.memory_space<hbm>>
    tpu.enqueue_dma source(%dma_start3A_153 : memref<4096xf32, #tpu.memory_space<hbm>>) target(%dma_start3A_150 : memref<4096xf32, #tpu.memory_space<hbm>>) target_semaphore(%arg3 : memref<!tpu.dma_semaphore, #tpu.memory_space<semaphore_mem>>)
    %mul3A_154 = arith.constant 16 : i32
    %mul3A_155 = arith.muli %arg0, %mul3A_154 : i32
    %add3A_156 = arith.constant 3 : i32
    %add3A_157 = arith.addi %mul3A_155, %add3A_156 : i32
    %lt3A_158 = arith.constant 16 : i32
    %lt3A_159 = arith.cmpi slt, %add3A_157, %lt3A_158 : i32
    %mul3A_160 = arith.constant 256 : i32
    %mul3A_161 = arith.muli %add3A_157, %mul3A_160 : i32
    %add3A_162 = arith.constant 4096 : i32
    %add3A_163 = arith.addi %mul3A_161, %add3A_162 : i32
    %sub3A_164 = arith.constant 1 : i32
    %sub3A_165 = arith.subi %add3A_163, %sub3A_164 : i32
    %jit3A_166 = arith.constant 4096 : i32
    %eq3A_167 = arith.constant 0 : i32
    %eq3A_168 = arith.cmpi eq, %jit3A_166, %eq3A_167 : i32
    %jit3A_169 = arith.constant 1 : i32
    %select_n3A_170 = arith.select %eq3A_168, %jit3A_169, %jit3A_166 : i32
    %rem3A_171 = arith.remsi %sub3A_165, %select_n3A_170 : i32
    %ne3A_172 = arith.constant 0 : i32
    %ne3A_173 = arith.cmpi ne, %rem3A_171, %ne3A_172 : i32
    %lt3A_174 = arith.constant 0 : i32
    %lt3A_175 = arith.cmpi slt, %rem3A_171, %lt3A_174 : i32
    %lt3A_176 = arith.constant 0 : i32
    %lt3A_177 = arith.cmpi slt, %select_n3A_170, %lt3A_176 : i32
    %ne3A_178 = arith.xori %lt3A_175, %lt3A_177 : i1
    %and3A_179 = arith.andi %ne3A_178, %ne3A_173 : i1
    %add3A_180 = arith.addi %rem3A_171, %select_n3A_170 : i32
    %select_n3A_181 = arith.select %and3A_179, %add3A_180, %rem3A_171 : i32
    %sub3A_182 = arith.constant 15 : i32
    %sub3A_183 = arith.subi %add3A_157, %sub3A_182 : i32
    %mul3A_184 = arith.constant 256 : i32
    %mul3A_185 = arith.muli %sub3A_183, %mul3A_184 : i32
    %jit3A_186 = arith.constant 4096 : i32
    %eq3A_187 = arith.constant 0 : i32
    %eq3A_188 = arith.cmpi eq, %jit3A_186, %eq3A_187 : i32
    %jit3A_189 = arith.constant 1 : i32
    %select_n3A_190 = arith.select %eq3A_188, %jit3A_189, %jit3A_186 : i32
    %rem3A_191 = arith.remsi %mul3A_185, %select_n3A_190 : i32
    %ne3A_192 = arith.constant 0 : i32
    %ne3A_193 = arith.cmpi ne, %rem3A_191, %ne3A_192 : i32
    %lt3A_194 = arith.constant 0 : i32
    %lt3A_195 = arith.cmpi slt, %rem3A_191, %lt3A_194 : i32
    %lt3A_196 = arith.constant 0 : i32
    %lt3A_197 = arith.cmpi slt, %select_n3A_190, %lt3A_196 : i32
    %ne3A_198 = arith.xori %lt3A_195, %lt3A_197 : i1
    %and3A_199 = arith.andi %ne3A_198, %ne3A_193 : i1
    %add3A_200 = arith.addi %rem3A_191, %select_n3A_190 : i32
    %select_n3A_201 = arith.select %and3A_199, %add3A_200, %rem3A_191 : i32
    %select_n3A_202 = arith.select %lt3A_159, %select_n3A_181, %select_n3A_201 : i32
    %dma_start3A_203 = arith.constant 0 : i32
    %dma_start3A_204 = tpu.memref_slice %arg2[%add3A_157, %dma_start3A_203] : memref<32x4096xf32, #tpu.memory_space<hbm>> -> memref<1x4096xf32, #tpu.memory_space<hbm>>
    %dma_start3A_205 = tpu.memref_squeeze %dma_start3A_204 : memref<1x4096xf32, #tpu.memory_space<hbm>> -> memref<4096xf32, #tpu.memory_space<hbm>>
    %dma_start3A_206 = arith.constant 0 : i32
    %dma_start3A_207 = tpu.memref_slice %arg1[%select_n3A_202, %dma_start3A_206] : memref<4096x4096xf32, #tpu.memory_space<hbm>> -> memref<1x4096xf32, #tpu.memory_space<hbm>>
    %dma_start3A_208 = tpu.memref_squeeze %dma_start3A_207 : memref<1x4096xf32, #tpu.memory_space<hbm>> -> memref<4096xf32, #tpu.memory_space<hbm>>
    tpu.enqueue_dma source(%dma_start3A_208 : memref<4096xf32, #tpu.memory_space<hbm>>) target(%dma_start3A_205 : memref<4096xf32, #tpu.memory_space<hbm>>) target_semaphore(%arg3 : memref<!tpu.dma_semaphore, #tpu.memory_space<semaphore_mem>>)
    %mul3A_209 = arith.constant 16 : i32
    %mul3A_210 = arith.muli %arg0, %mul3A_209 : i32
    %add3A_211 = arith.constant 4 : i32
    %add3A_212 = arith.addi %mul3A_210, %add3A_211 : i32
    %lt3A_213 = arith.constant 16 : i32
    %lt3A_214 = arith.cmpi slt, %add3A_212, %lt3A_213 : i32
    %mul3A_215 = arith.constant 256 : i32
    %mul3A_216 = arith.muli %add3A_212, %mul3A_215 : i32
    %add3A_217 = arith.constant 4096 : i32
    %add3A_218 = arith.addi %mul3A_216, %add3A_217 : i32
    %sub3A_219 = arith.constant 1 : i32
    %sub3A_220 = arith.subi %add3A_218, %sub3A_219 : i32
    %jit3A_221 = arith.constant 4096 : i32
    %eq3A_222 = arith.constant 0 : i32
    %eq3A_223 = arith.cmpi eq, %jit3A_221, %eq3A_222 : i32
    %jit3A_224 = arith.constant 1 : i32
    %select_n3A_225 = arith.select %eq3A_223, %jit3A_224, %jit3A_221 : i32
    %rem3A_226 = arith.remsi %sub3A_220, %select_n3A_225 : i32
    %ne3A_227 = arith.constant 0 : i32
    %ne3A_228 = arith.cmpi ne, %rem3A_226, %ne3A_227 : i32
    %lt3A_229 = arith.constant 0 : i32
    %lt3A_230 = arith.cmpi slt, %rem3A_226, %lt3A_229 : i32
    %lt3A_231 = arith.constant 0 : i32
    %lt3A_232 = arith.cmpi slt, %select_n3A_225, %lt3A_231 : i32
    %ne3A_233 = arith.xori %lt3A_230, %lt3A_232 : i1
    %and3A_234 = arith.andi %ne3A_233, %ne3A_228 : i1
    %add3A_235 = arith.addi %rem3A_226, %select_n3A_225 : i32
    %select_n3A_236 = arith.select %and3A_234, %add3A_235, %rem3A_226 : i32
    %sub3A_237 = arith.constant 15 : i32
    %sub3A_238 = arith.subi %add3A_212, %sub3A_237 : i32
    %mul3A_239 = arith.constant 256 : i32
    %mul3A_240 = arith.muli %sub3A_238, %mul3A_239 : i32
    %jit3A_241 = arith.constant 4096 : i32
    %eq3A_242 = arith.constant 0 : i32
    %eq3A_243 = arith.cmpi eq, %jit3A_241, %eq3A_242 : i32
    %jit3A_244 = arith.constant 1 : i32
    %select_n3A_245 = arith.select %eq3A_243, %jit3A_244, %jit3A_241 : i32
    %rem3A_246 = arith.remsi %mul3A_240, %select_n3A_245 : i32
    %ne3A_247 = arith.constant 0 : i32
    %ne3A_248 = arith.cmpi ne, %rem3A_246, %ne3A_247 : i32
    %lt3A_249 = arith.constant 0 : i32
    %lt3A_250 = arith.cmpi slt, %rem3A_246, %lt3A_249 : i32
    %lt3A_251 = arith.constant 0 : i32
    %lt3A_252 = arith.cmpi slt, %select_n3A_245, %lt3A_251 : i32
    %ne3A_253 = arith.xori %lt3A_250, %lt3A_252 : i1
    %and3A_254 = arith.andi %ne3A_253, %ne3A_248 : i1
    %add3A_255 = arith.addi %rem3A_246, %select_n3A_245 : i32
    %select_n3A_256 = arith.select %and3A_254, %add3A_255, %rem3A_246 : i32
    %select_n3A_257 = arith.select %lt3A_214, %select_n3A_236, %select_n3A_256 : i32
    %dma_start3A_258 = arith.constant 0 : i32
    %dma_start3A_259 = tpu.memref_slice %arg2[%add3A_212, %dma_start3A_258] : memref<32x4096xf32, #tpu.memory_space<hbm>> -> memref<1x4096xf32, #tpu.memory_space<hbm>>
    %dma_start3A_260 = tpu.memref_squeeze %dma_start3A_259 : memref<1x4096xf32, #tpu.memory_space<hbm>> -> memref<4096xf32, #tpu.memory_space<hbm>>
    %dma_start3A_261 = arith.constant 0 : i32
    %dma_start3A_262 = tpu.memref_slice %arg1[%select_n3A_257, %dma_start3A_261] : memref<4096x4096xf32, #tpu.memory_space<hbm>> -> memref<1x4096xf32, #tpu.memory_space<hbm>>
    %dma_start3A_263 = tpu.memref_squeeze %dma_start3A_262 : memref<1x4096xf32, #tpu.memory_space<hbm>> -> memref<4096xf32, #tpu.memory_space<hbm>>
    tpu.enqueue_dma source(%dma_start3A_263 : memref<4096xf32, #tpu.memory_space<hbm>>) target(%dma_start3A_260 : memref<4096xf32, #tpu.memory_space<hbm>>) target_semaphore(%arg3 : memref<!tpu.dma_semaphore, #tpu.memory_space<semaphore_mem>>)
    %mul3A_264 = arith.constant 16 : i32
    %mul3A_265 = arith.muli %arg0, %mul3A_264 : i32
    %add3A_266 = arith.constant 5 : i32
    %add3A_267 = arith.addi %mul3A_265, %add3A_266 : i32
    %lt3A_268 = arith.constant 16 : i32
    %lt3A_269 = arith.cmpi slt, %add3A_267, %lt3A_268 : i32
    %mul3A_270 = arith.constant 256 : i32
    %mul3A_271 = arith.muli %add3A_267, %mul3A_270 : i32
    %add3A_272 = arith.constant 4096 : i32
    %add3A_273 = arith.addi %mul3A_271, %add3A_272 : i32
    %sub3A_274 = arith.constant 1 : i32
    %sub3A_275 = arith.subi %add3A_273, %sub3A_274 : i32
    %jit3A_276 = arith.constant 4096 : i32
    %eq3A_277 = arith.constant 0 : i32
    %eq3A_278 = arith.cmpi eq, %jit3A_276, %eq3A_277 : i32
    %jit3A_279 = arith.constant 1 : i32
    %select_n3A_280 = arith.select %eq3A_278, %jit3A_279, %jit3A_276 : i32
    %rem3A_281 = arith.remsi %sub3A_275, %select_n3A_280 : i32
    %ne3A_282 = arith.constant 0 : i32
    %ne3A_283 = arith.cmpi ne, %rem3A_281, %ne3A_282 : i32
    %lt3A_284 = arith.constant 0 : i32
    %lt3A_285 = arith.cmpi slt, %rem3A_281, %lt3A_284 : i32
    %lt3A_286 = arith.constant 0 : i32
    %lt3A_287 = arith.cmpi slt, %select_n3A_280, %lt3A_286 : i32
    %ne3A_288 = arith.xori %lt3A_285, %lt3A_287 : i1
    %and3A_289 = arith.andi %ne3A_288, %ne3A_283 : i1
    %add3A_290 = arith.addi %rem3A_281, %select_n3A_280 : i32
    %select_n3A_291 = arith.select %and3A_289, %add3A_290, %rem3A_281 : i32
    %sub3A_292 = arith.constant 15 : i32
    %sub3A_293 = arith.subi %add3A_267, %sub3A_292 : i32
    %mul3A_294 = arith.constant 256 : i32
    %mul3A_295 = arith.muli %sub3A_293, %mul3A_294 : i32
    %jit3A_296 = arith.constant 4096 : i32
    %eq3A_297 = arith.constant 0 : i32
    %eq3A_298 = arith.cmpi eq, %jit3A_296, %eq3A_297 : i32
    %jit3A_299 = arith.constant 1 : i32
    %select_n3A_300 = arith.select %eq3A_298, %jit3A_299, %jit3A_296 : i32
    %rem3A_301 = arith.remsi %mul3A_295, %select_n3A_300 : i32
    %ne3A_302 = arith.constant 0 : i32
    %ne3A_303 = arith.cmpi ne, %rem3A_301, %ne3A_302 : i32
    %lt3A_304 = arith.constant 0 : i32
    %lt3A_305 = arith.cmpi slt, %rem3A_301, %lt3A_304 : i32
    %lt3A_306 = arith.constant 0 : i32
    %lt3A_307 = arith.cmpi slt, %select_n3A_300, %lt3A_306 : i32
    %ne3A_308 = arith.xori %lt3A_305, %lt3A_307 : i1
    %and3A_309 = arith.andi %ne3A_308, %ne3A_303 : i1
    %add3A_310 = arith.addi %rem3A_301, %select_n3A_300 : i32
    %select_n3A_311 = arith.select %and3A_309, %add3A_310, %rem3A_301 : i32
    %select_n3A_312 = arith.select %lt3A_269, %select_n3A_291, %select_n3A_311 : i32
    %dma_start3A_313 = arith.constant 0 : i32
    %dma_start3A_314 = tpu.memref_slice %arg2[%add3A_267, %dma_start3A_313] : memref<32x4096xf32, #tpu.memory_space<hbm>> -> memref<1x4096xf32, #tpu.memory_space<hbm>>
    %dma_start3A_315 = tpu.memref_squeeze %dma_start3A_314 : memref<1x4096xf32, #tpu.memory_space<hbm>> -> memref<4096xf32, #tpu.memory_space<hbm>>
    %dma_start3A_316 = arith.constant 0 : i32
    %dma_start3A_317 = tpu.memref_slice %arg1[%select_n3A_312, %dma_start3A_316] : memref<4096x4096xf32, #tpu.memory_space<hbm>> -> memref<1x4096xf32, #tpu.memory_space<hbm>>
    %dma_start3A_318 = tpu.memref_squeeze %dma_start3A_317 : memref<1x4096xf32, #tpu.memory_space<hbm>> -> memref<4096xf32, #tpu.memory_space<hbm>>
    tpu.enqueue_dma source(%dma_start3A_318 : memref<4096xf32, #tpu.memory_space<hbm>>) target(%dma_start3A_315 : memref<4096xf32, #tpu.memory_space<hbm>>) target_semaphore(%arg3 : memref<!tpu.dma_semaphore, #tpu.memory_space<semaphore_mem>>)
    %mul3A_319 = arith.constant 16 : i32
    %mul3A_320 = arith.muli %arg0, %mul3A_319 : i32
    %add3A_321 = arith.constant 6 : i32
    %add3A_322 = arith.addi %mul3A_320, %add3A_321 : i32
    %lt3A_323 = arith.constant 16 : i32
    %lt3A_324 = arith.cmpi slt, %add3A_322, %lt3A_323 : i32
    %mul3A_325 = arith.constant 256 : i32
    %mul3A_326 = arith.muli %add3A_322, %mul3A_325 : i32
    %add3A_327 = arith.constant 4096 : i32
    %add3A_328 = arith.addi %mul3A_326, %add3A_327 : i32
    %sub3A_329 = arith.constant 1 : i32
    %sub3A_330 = arith.subi %add3A_328, %sub3A_329 : i32
    %jit3A_331 = arith.constant 4096 : i32
    %eq3A_332 = arith.constant 0 : i32
    %eq3A_333 = arith.cmpi eq, %jit3A_331, %eq3A_332 : i32
    %jit3A_334 = arith.constant 1 : i32
    %select_n3A_335 = arith.select %eq3A_333, %jit3A_334, %jit3A_331 : i32
    %rem3A_336 = arith.remsi %sub3A_330, %select_n3A_335 : i32
    %ne3A_337 = arith.constant 0 : i32
    %ne3A_338 = arith.cmpi ne, %rem3A_336, %ne3A_337 : i32
    %lt3A_339 = arith.constant 0 : i32
    %lt3A_340 = arith.cmpi slt, %rem3A_336, %lt3A_339 : i32
    %lt3A_341 = arith.constant 0 : i32
    %lt3A_342 = arith.cmpi slt, %select_n3A_335, %lt3A_341 : i32
    %ne3A_343 = arith.xori %lt3A_340, %lt3A_342 : i1
    %and3A_344 = arith.andi %ne3A_343, %ne3A_338 : i1
    %add3A_345 = arith.addi %rem3A_336, %select_n3A_335 : i32
    %select_n3A_346 = arith.select %and3A_344, %add3A_345, %rem3A_336 : i32
    %sub3A_347 = arith.constant 15 : i32
    %sub3A_348 = arith.subi %add3A_322, %sub3A_347 : i32
    %mul3A_349 = arith.constant 256 : i32
    %mul3A_350 = arith.muli %sub3A_348, %mul3A_349 : i32
    %jit3A_351 = arith.constant 4096 : i32
    %eq3A_352 = arith.constant 0 : i32
    %eq3A_353 = arith.cmpi eq, %jit3A_351, %eq3A_352 : i32
    %jit3A_354 = arith.constant 1 : i32
    %select_n3A_355 = arith.select %eq3A_353, %jit3A_354, %jit3A_351 : i32
    %rem3A_356 = arith.remsi %mul3A_350, %select_n3A_355 : i32
    %ne3A_357 = arith.constant 0 : i32
    %ne3A_358 = arith.cmpi ne, %rem3A_356, %ne3A_357 : i32
    %lt3A_359 = arith.constant 0 : i32
    %lt3A_360 = arith.cmpi slt, %rem3A_356, %lt3A_359 : i32
    %lt3A_361 = arith.constant 0 : i32
    %lt3A_362 = arith.cmpi slt, %select_n3A_355, %lt3A_361 : i32
    %ne3A_363 = arith.xori %lt3A_360, %lt3A_362 : i1
    %and3A_364 = arith.andi %ne3A_363, %ne3A_358 : i1
    %add3A_365 = arith.addi %rem3A_356, %select_n3A_355 : i32
    %select_n3A_366 = arith.select %and3A_364, %add3A_365, %rem3A_356 : i32
    %select_n3A_367 = arith.select %lt3A_324, %select_n3A_346, %select_n3A_366 : i32
    %dma_start3A_368 = arith.constant 0 : i32
    %dma_start3A_369 = tpu.memref_slice %arg2[%add3A_322, %dma_start3A_368] : memref<32x4096xf32, #tpu.memory_space<hbm>> -> memref<1x4096xf32, #tpu.memory_space<hbm>>
    %dma_start3A_370 = tpu.memref_squeeze %dma_start3A_369 : memref<1x4096xf32, #tpu.memory_space<hbm>> -> memref<4096xf32, #tpu.memory_space<hbm>>
    %dma_start3A_371 = arith.constant 0 : i32
    %dma_start3A_372 = tpu.memref_slice %arg1[%select_n3A_367, %dma_start3A_371] : memref<4096x4096xf32, #tpu.memory_space<hbm>> -> memref<1x4096xf32, #tpu.memory_space<hbm>>
    %dma_start3A_373 = tpu.memref_squeeze %dma_start3A_372 : memref<1x4096xf32, #tpu.memory_space<hbm>> -> memref<4096xf32, #tpu.memory_space<hbm>>
    tpu.enqueue_dma source(%dma_start3A_373 : memref<4096xf32, #tpu.memory_space<hbm>>) target(%dma_start3A_370 : memref<4096xf32, #tpu.memory_space<hbm>>) target_semaphore(%arg3 : memref<!tpu.dma_semaphore, #tpu.memory_space<semaphore_mem>>)
    %mul3A_374 = arith.constant 16 : i32
    %mul3A_375 = arith.muli %arg0, %mul3A_374 : i32
    %add3A_376 = arith.constant 7 : i32
    %add3A_377 = arith.addi %mul3A_375, %add3A_376 : i32
    %lt3A_378 = arith.constant 16 : i32
    %lt3A_379 = arith.cmpi slt, %add3A_377, %lt3A_378 : i32
    %mul3A_380 = arith.constant 256 : i32
    %mul3A_381 = arith.muli %add3A_377, %mul3A_380 : i32
    %add3A_382 = arith.constant 4096 : i32
    %add3A_383 = arith.addi %mul3A_381, %add3A_382 : i32
    %sub3A_384 = arith.constant 1 : i32
    %sub3A_385 = arith.subi %add3A_383, %sub3A_384 : i32
    %jit3A_386 = arith.constant 4096 : i32
    %eq3A_387 = arith.constant 0 : i32
    %eq3A_388 = arith.cmpi eq, %jit3A_386, %eq3A_387 : i32
    %jit3A_389 = arith.constant 1 : i32
    %select_n3A_390 = arith.select %eq3A_388, %jit3A_389, %jit3A_386 : i32
    %rem3A_391 = arith.remsi %sub3A_385, %select_n3A_390 : i32
    %ne3A_392 = arith.constant 0 : i32
    %ne3A_393 = arith.cmpi ne, %rem3A_391, %ne3A_392 : i32
    %lt3A_394 = arith.constant 0 : i32
    %lt3A_395 = arith.cmpi slt, %rem3A_391, %lt3A_394 : i32
    %lt3A_396 = arith.constant 0 : i32
    %lt3A_397 = arith.cmpi slt, %select_n3A_390, %lt3A_396 : i32
    %ne3A_398 = arith.xori %lt3A_395, %lt3A_397 : i1
    %and3A_399 = arith.andi %ne3A_398, %ne3A_393 : i1
    %add3A_400 = arith.addi %rem3A_391, %select_n3A_390 : i32
    %select_n3A_401 = arith.select %and3A_399, %add3A_400, %rem3A_391 : i32
    %sub3A_402 = arith.constant 15 : i32
    %sub3A_403 = arith.subi %add3A_377, %sub3A_402 : i32
    %mul3A_404 = arith.constant 256 : i32
    %mul3A_405 = arith.muli %sub3A_403, %mul3A_404 : i32
    %jit3A_406 = arith.constant 4096 : i32
    %eq3A_407 = arith.constant 0 : i32
    %eq3A_408 = arith.cmpi eq, %jit3A_406, %eq3A_407 : i32
    %jit3A_409 = arith.constant 1 : i32
    %select_n3A_410 = arith.select %eq3A_408, %jit3A_409, %jit3A_406 : i32
    %rem3A_411 = arith.remsi %mul3A_405, %select_n3A_410 : i32
    %ne3A_412 = arith.constant 0 : i32
    %ne3A_413 = arith.cmpi ne, %rem3A_411, %ne3A_412 : i32
    %lt3A_414 = arith.constant 0 : i32
    %lt3A_415 = arith.cmpi slt, %rem3A_411, %lt3A_414 : i32
    %lt3A_416 = arith.constant 0 : i32
    %lt3A_417 = arith.cmpi slt, %select_n3A_410, %lt3A_416 : i32
    %ne3A_418 = arith.xori %lt3A_415, %lt3A_417 : i1
    %and3A_419 = arith.andi %ne3A_418, %ne3A_413 : i1
    %add3A_420 = arith.addi %rem3A_411, %select_n3A_410 : i32
    %select_n3A_421 = arith.select %and3A_419, %add3A_420, %rem3A_411 : i32
    %select_n3A_422 = arith.select %lt3A_379, %select_n3A_401, %select_n3A_421 : i32
    %dma_start3A_423 = arith.constant 0 : i32
    %dma_start3A_424 = tpu.memref_slice %arg2[%add3A_377, %dma_start3A_423] : memref<32x4096xf32, #tpu.memory_space<hbm>> -> memref<1x4096xf32, #tpu.memory_space<hbm>>
    %dma_start3A_425 = tpu.memref_squeeze %dma_start3A_424 : memref<1x4096xf32, #tpu.memory_space<hbm>> -> memref<4096xf32, #tpu.memory_space<hbm>>
    %dma_start3A_426 = arith.constant 0 : i32
    %dma_start3A_427 = tpu.memref_slice %arg1[%select_n3A_422, %dma_start3A_426] : memref<4096x4096xf32, #tpu.memory_space<hbm>> -> memref<1x4096xf32, #tpu.memory_space<hbm>>
    %dma_start3A_428 = tpu.memref_squeeze %dma_start3A_427 : memref<1x4096xf32, #tpu.memory_space<hbm>> -> memref<4096xf32, #tpu.memory_space<hbm>>
    tpu.enqueue_dma source(%dma_start3A_428 : memref<4096xf32, #tpu.memory_space<hbm>>) target(%dma_start3A_425 : memref<4096xf32, #tpu.memory_space<hbm>>) target_semaphore(%arg3 : memref<!tpu.dma_semaphore, #tpu.memory_space<semaphore_mem>>)
    %mul3A_429 = arith.constant 16 : i32
    %mul3A_430 = arith.muli %arg0, %mul3A_429 : i32
    %add3A_431 = arith.constant 8 : i32
    %add3A_432 = arith.addi %mul3A_430, %add3A_431 : i32
    %lt3A_433 = arith.constant 16 : i32
    %lt3A_434 = arith.cmpi slt, %add3A_432, %lt3A_433 : i32
    %mul3A_435 = arith.constant 256 : i32
    %mul3A_436 = arith.muli %add3A_432, %mul3A_435 : i32
    %add3A_437 = arith.constant 4096 : i32
    %add3A_438 = arith.addi %mul3A_436, %add3A_437 : i32
    %sub3A_439 = arith.constant 1 : i32
    %sub3A_440 = arith.subi %add3A_438, %sub3A_439 : i32
    %jit3A_441 = arith.constant 4096 : i32
    %eq3A_442 = arith.constant 0 : i32
    %eq3A_443 = arith.cmpi eq, %jit3A_441, %eq3A_442 : i32
    %jit3A_444 = arith.constant 1 : i32
    %select_n3A_445 = arith.select %eq3A_443, %jit3A_444, %jit3A_441 : i32
    %rem3A_446 = arith.remsi %sub3A_440, %select_n3A_445 : i32
    %ne3A_447 = arith.constant 0 : i32
    %ne3A_448 = arith.cmpi ne, %rem3A_446, %ne3A_447 : i32
    %lt3A_449 = arith.constant 0 : i32
    %lt3A_450 = arith.cmpi slt, %rem3A_446, %lt3A_449 : i32
    %lt3A_451 = arith.constant 0 : i32
    %lt3A_452 = arith.cmpi slt, %select_n3A_445, %lt3A_451 : i32
    %ne3A_453 = arith.xori %lt3A_450, %lt3A_452 : i1
    %and3A_454 = arith.andi %ne3A_453, %ne3A_448 : i1
    %add3A_455 = arith.addi %rem3A_446, %select_n3A_445 : i32
    %select_n3A_456 = arith.select %and3A_454, %add3A_455, %rem3A_446 : i32
    %sub3A_457 = arith.constant 15 : i32
    %sub3A_458 = arith.subi %add3A_432, %sub3A_457 : i32
    %mul3A_459 = arith.constant 256 : i32
    %mul3A_460 = arith.muli %sub3A_458, %mul3A_459 : i32
    %jit3A_461 = arith.constant 4096 : i32
    %eq3A_462 = arith.constant 0 : i32
    %eq3A_463 = arith.cmpi eq, %jit3A_461, %eq3A_462 : i32
    %jit3A_464 = arith.constant 1 : i32
    %select_n3A_465 = arith.select %eq3A_463, %jit3A_464, %jit3A_461 : i32
    %rem3A_466 = arith.remsi %mul3A_460, %select_n3A_465 : i32
    %ne3A_467 = arith.constant 0 : i32
    %ne3A_468 = arith.cmpi ne, %rem3A_466, %ne3A_467 : i32
    %lt3A_469 = arith.constant 0 : i32
    %lt3A_470 = arith.cmpi slt, %rem3A_466, %lt3A_469 : i32
    %lt3A_471 = arith.constant 0 : i32
    %lt3A_472 = arith.cmpi slt, %select_n3A_465, %lt3A_471 : i32
    %ne3A_473 = arith.xori %lt3A_470, %lt3A_472 : i1
    %and3A_474 = arith.andi %ne3A_473, %ne3A_468 : i1
    %add3A_475 = arith.addi %rem3A_466, %select_n3A_465 : i32
    %select_n3A_476 = arith.select %and3A_474, %add3A_475, %rem3A_466 : i32
    %select_n3A_477 = arith.select %lt3A_434, %select_n3A_456, %select_n3A_476 : i32
    %dma_start3A_478 = arith.constant 0 : i32
    %dma_start3A_479 = tpu.memref_slice %arg2[%add3A_432, %dma_start3A_478] : memref<32x4096xf32, #tpu.memory_space<hbm>> -> memref<1x4096xf32, #tpu.memory_space<hbm>>
    %dma_start3A_480 = tpu.memref_squeeze %dma_start3A_479 : memref<1x4096xf32, #tpu.memory_space<hbm>> -> memref<4096xf32, #tpu.memory_space<hbm>>
    %dma_start3A_481 = arith.constant 0 : i32
    %dma_start3A_482 = tpu.memref_slice %arg1[%select_n3A_477, %dma_start3A_481] : memref<4096x4096xf32, #tpu.memory_space<hbm>> -> memref<1x4096xf32, #tpu.memory_space<hbm>>
    %dma_start3A_483 = tpu.memref_squeeze %dma_start3A_482 : memref<1x4096xf32, #tpu.memory_space<hbm>> -> memref<4096xf32, #tpu.memory_space<hbm>>
    tpu.enqueue_dma source(%dma_start3A_483 : memref<4096xf32, #tpu.memory_space<hbm>>) target(%dma_start3A_480 : memref<4096xf32, #tpu.memory_space<hbm>>) target_semaphore(%arg3 : memref<!tpu.dma_semaphore, #tpu.memory_space<semaphore_mem>>)
    %mul3A_484 = arith.constant 16 : i32
    %mul3A_485 = arith.muli %arg0, %mul3A_484 : i32
    %add3A_486 = arith.constant 9 : i32
    %add3A_487 = arith.addi %mul3A_485, %add3A_486 : i32
    %lt3A_488 = arith.constant 16 : i32
    %lt3A_489 = arith.cmpi slt, %add3A_487, %lt3A_488 : i32
    %mul3A_490 = arith.constant 256 : i32
    %mul3A_491 = arith.muli %add3A_487, %mul3A_490 : i32
    %add3A_492 = arith.constant 4096 : i32
    %add3A_493 = arith.addi %mul3A_491, %add3A_492 : i32
    %sub3A_494 = arith.constant 1 : i32
    %sub3A_495 = arith.subi %add3A_493, %sub3A_494 : i32
    %jit3A_496 = arith.constant 4096 : i32
    %eq3A_497 = arith.constant 0 : i32
    %eq3A_498 = arith.cmpi eq, %jit3A_496, %eq3A_497 : i32
    %jit3A_499 = arith.constant 1 : i32
    %select_n3A_500 = arith.select %eq3A_498, %jit3A_499, %jit3A_496 : i32
    %rem3A_501 = arith.remsi %sub3A_495, %select_n3A_500 : i32
    %ne3A_502 = arith.constant 0 : i32
    %ne3A_503 = arith.cmpi ne, %rem3A_501, %ne3A_502 : i32
    %lt3A_504 = arith.constant 0 : i32
    %lt3A_505 = arith.cmpi slt, %rem3A_501, %lt3A_504 : i32
    %lt3A_506 = arith.constant 0 : i32
    %lt3A_507 = arith.cmpi slt, %select_n3A_500, %lt3A_506 : i32
    %ne3A_508 = arith.xori %lt3A_505, %lt3A_507 : i1
    %and3A_509 = arith.andi %ne3A_508, %ne3A_503 : i1
    %add3A_510 = arith.addi %rem3A_501, %select_n3A_500 : i32
    %select_n3A_511 = arith.select %and3A_509, %add3A_510, %rem3A_501 : i32
    %sub3A_512 = arith.constant 15 : i32
    %sub3A_513 = arith.subi %add3A_487, %sub3A_512 : i32
    %mul3A_514 = arith.constant 256 : i32
    %mul3A_515 = arith.muli %sub3A_513, %mul3A_514 : i32
    %jit3A_516 = arith.constant 4096 : i32
    %eq3A_517 = arith.constant 0 : i32
    %eq3A_518 = arith.cmpi eq, %jit3A_516, %eq3A_517 : i32
    %jit3A_519 = arith.constant 1 : i32
    %select_n3A_520 = arith.select %eq3A_518, %jit3A_519, %jit3A_516 : i32
    %rem3A_521 = arith.remsi %mul3A_515, %select_n3A_520 : i32
    %ne3A_522 = arith.constant 0 : i32
    %ne3A_523 = arith.cmpi ne, %rem3A_521, %ne3A_522 : i32
    %lt3A_524 = arith.constant 0 : i32
    %lt3A_525 = arith.cmpi slt, %rem3A_521, %lt3A_524 : i32
    %lt3A_526 = arith.constant 0 : i32
    %lt3A_527 = arith.cmpi slt, %select_n3A_520, %lt3A_526 : i32
    %ne3A_528 = arith.xori %lt3A_525, %lt3A_527 : i1
    %and3A_529 = arith.andi %ne3A_528, %ne3A_523 : i1
    %add3A_530 = arith.addi %rem3A_521, %select_n3A_520 : i32
    %select_n3A_531 = arith.select %and3A_529, %add3A_530, %rem3A_521 : i32
    %select_n3A_532 = arith.select %lt3A_489, %select_n3A_511, %select_n3A_531 : i32
    %dma_start3A_533 = arith.constant 0 : i32
    %dma_start3A_534 = tpu.memref_slice %arg2[%add3A_487, %dma_start3A_533] : memref<32x4096xf32, #tpu.memory_space<hbm>> -> memref<1x4096xf32, #tpu.memory_space<hbm>>
    %dma_start3A_535 = tpu.memref_squeeze %dma_start3A_534 : memref<1x4096xf32, #tpu.memory_space<hbm>> -> memref<4096xf32, #tpu.memory_space<hbm>>
    %dma_start3A_536 = arith.constant 0 : i32
    %dma_start3A_537 = tpu.memref_slice %arg1[%select_n3A_532, %dma_start3A_536] : memref<4096x4096xf32, #tpu.memory_space<hbm>> -> memref<1x4096xf32, #tpu.memory_space<hbm>>
    %dma_start3A_538 = tpu.memref_squeeze %dma_start3A_537 : memref<1x4096xf32, #tpu.memory_space<hbm>> -> memref<4096xf32, #tpu.memory_space<hbm>>
    tpu.enqueue_dma source(%dma_start3A_538 : memref<4096xf32, #tpu.memory_space<hbm>>) target(%dma_start3A_535 : memref<4096xf32, #tpu.memory_space<hbm>>) target_semaphore(%arg3 : memref<!tpu.dma_semaphore, #tpu.memory_space<semaphore_mem>>)
    %mul3A_539 = arith.constant 16 : i32
    %mul3A_540 = arith.muli %arg0, %mul3A_539 : i32
    %add3A_541 = arith.constant 10 : i32
    %add3A_542 = arith.addi %mul3A_540, %add3A_541 : i32
    %lt3A_543 = arith.constant 16 : i32
    %lt3A_544 = arith.cmpi slt, %add3A_542, %lt3A_543 : i32
    %mul3A_545 = arith.constant 256 : i32
    %mul3A_546 = arith.muli %add3A_542, %mul3A_545 : i32
    %add3A_547 = arith.constant 4096 : i32
    %add3A_548 = arith.addi %mul3A_546, %add3A_547 : i32
    %sub3A_549 = arith.constant 1 : i32
    %sub3A_550 = arith.subi %add3A_548, %sub3A_549 : i32
    %jit3A_551 = arith.constant 4096 : i32
    %eq3A_552 = arith.constant 0 : i32
    %eq3A_553 = arith.cmpi eq, %jit3A_551, %eq3A_552 : i32
    %jit3A_554 = arith.constant 1 : i32
    %select_n3A_555 = arith.select %eq3A_553, %jit3A_554, %jit3A_551 : i32
    %rem3A_556 = arith.remsi %sub3A_550, %select_n3A_555 : i32
    %ne3A_557 = arith.constant 0 : i32
    %ne3A_558 = arith.cmpi ne, %rem3A_556, %ne3A_557 : i32
    %lt3A_559 = arith.constant 0 : i32
    %lt3A_560 = arith.cmpi slt, %rem3A_556, %lt3A_559 : i32
    %lt3A_561 = arith.constant 0 : i32
    %lt3A_562 = arith.cmpi slt, %select_n3A_555, %lt3A_561 : i32
    %ne3A_563 = arith.xori %lt3A_560, %lt3A_562 : i1
    %and3A_564 = arith.andi %ne3A_563, %ne3A_558 : i1
    %add3A_565 = arith.addi %rem3A_556, %select_n3A_555 : i32
    %select_n3A_566 = arith.select %and3A_564, %add3A_565, %rem3A_556 : i32
    %sub3A_567 = arith.constant 15 : i32
    %sub3A_568 = arith.subi %add3A_542, %sub3A_567 : i32
    %mul3A_569 = arith.constant 256 : i32
    %mul3A_570 = arith.muli %sub3A_568, %mul3A_569 : i32
    %jit3A_571 = arith.constant 4096 : i32
    %eq3A_572 = arith.constant 0 : i32
    %eq3A_573 = arith.cmpi eq, %jit3A_571, %eq3A_572 : i32
    %jit3A_574 = arith.constant 1 : i32
    %select_n3A_575 = arith.select %eq3A_573, %jit3A_574, %jit3A_571 : i32
    %rem3A_576 = arith.remsi %mul3A_570, %select_n3A_575 : i32
    %ne3A_577 = arith.constant 0 : i32
    %ne3A_578 = arith.cmpi ne, %rem3A_576, %ne3A_577 : i32
    %lt3A_579 = arith.constant 0 : i32
    %lt3A_580 = arith.cmpi slt, %rem3A_576, %lt3A_579 : i32
    %lt3A_581 = arith.constant 0 : i32
    %lt3A_582 = arith.cmpi slt, %select_n3A_575, %lt3A_581 : i32
    %ne3A_583 = arith.xori %lt3A_580, %lt3A_582 : i1
    %and3A_584 = arith.andi %ne3A_583, %ne3A_578 : i1
    %add3A_585 = arith.addi %rem3A_576, %select_n3A_575 : i32
    %select_n3A_586 = arith.select %and3A_584, %add3A_585, %rem3A_576 : i32
    %select_n3A_587 = arith.select %lt3A_544, %select_n3A_566, %select_n3A_586 : i32
    %dma_start3A_588 = arith.constant 0 : i32
    %dma_start3A_589 = tpu.memref_slice %arg2[%add3A_542, %dma_start3A_588] : memref<32x4096xf32, #tpu.memory_space<hbm>> -> memref<1x4096xf32, #tpu.memory_space<hbm>>
    %dma_start3A_590 = tpu.memref_squeeze %dma_start3A_589 : memref<1x4096xf32, #tpu.memory_space<hbm>> -> memref<4096xf32, #tpu.memory_space<hbm>>
    %dma_start3A_591 = arith.constant 0 : i32
    %dma_start3A_592 = tpu.memref_slice %arg1[%select_n3A_587, %dma_start3A_591] : memref<4096x4096xf32, #tpu.memory_space<hbm>> -> memref<1x4096xf32, #tpu.memory_space<hbm>>
    %dma_start3A_593 = tpu.memref_squeeze %dma_start3A_592 : memref<1x4096xf32, #tpu.memory_space<hbm>> -> memref<4096xf32, #tpu.memory_space<hbm>>
    tpu.enqueue_dma source(%dma_start3A_593 : memref<4096xf32, #tpu.memory_space<hbm>>) target(%dma_start3A_590 : memref<4096xf32, #tpu.memory_space<hbm>>) target_semaphore(%arg3 : memref<!tpu.dma_semaphore, #tpu.memory_space<semaphore_mem>>)
    %mul3A_594 = arith.constant 16 : i32
    %mul3A_595 = arith.muli %arg0, %mul3A_594 : i32
    %add3A_596 = arith.constant 11 : i32
    %add3A_597 = arith.addi %mul3A_595, %add3A_596 : i32
    %lt3A_598 = arith.constant 16 : i32
    %lt3A_599 = arith.cmpi slt, %add3A_597, %lt3A_598 : i32
    %mul3A_600 = arith.constant 256 : i32
    %mul3A_601 = arith.muli %add3A_597, %mul3A_600 : i32
    %add3A_602 = arith.constant 4096 : i32
    %add3A_603 = arith.addi %mul3A_601, %add3A_602 : i32
    %sub3A_604 = arith.constant 1 : i32
    %sub3A_605 = arith.subi %add3A_603, %sub3A_604 : i32
    %jit3A_606 = arith.constant 4096 : i32
    %eq3A_607 = arith.constant 0 : i32
    %eq3A_608 = arith.cmpi eq, %jit3A_606, %eq3A_607 : i32
    %jit3A_609 = arith.constant 1 : i32
    %select_n3A_610 = arith.select %eq3A_608, %jit3A_609, %jit3A_606 : i32
    %rem3A_611 = arith.remsi %sub3A_605, %select_n3A_610 : i32
    %ne3A_612 = arith.constant 0 : i32
    %ne3A_613 = arith.cmpi ne, %rem3A_611, %ne3A_612 : i32
    %lt3A_614 = arith.constant 0 : i32
    %lt3A_615 = arith.cmpi slt, %rem3A_611, %lt3A_614 : i32
    %lt3A_616 = arith.constant 0 : i32
    %lt3A_617 = arith.cmpi slt, %select_n3A_610, %lt3A_616 : i32
    %ne3A_618 = arith.xori %lt3A_615, %lt3A_617 : i1
    %and3A_619 = arith.andi %ne3A_618, %ne3A_613 : i1
    %add3A_620 = arith.addi %rem3A_611, %select_n3A_610 : i32
    %select_n3A_621 = arith.select %and3A_619, %add3A_620, %rem3A_611 : i32
    %sub3A_622 = arith.constant 15 : i32
    %sub3A_623 = arith.subi %add3A_597, %sub3A_622 : i32
    %mul3A_624 = arith.constant 256 : i32
    %mul3A_625 = arith.muli %sub3A_623, %mul3A_624 : i32
    %jit3A_626 = arith.constant 4096 : i32
    %eq3A_627 = arith.constant 0 : i32
    %eq3A_628 = arith.cmpi eq, %jit3A_626, %eq3A_627 : i32
    %jit3A_629 = arith.constant 1 : i32
    %select_n3A_630 = arith.select %eq3A_628, %jit3A_629, %jit3A_626 : i32
    %rem3A_631 = arith.remsi %mul3A_625, %select_n3A_630 : i32
    %ne3A_632 = arith.constant 0 : i32
    %ne3A_633 = arith.cmpi ne, %rem3A_631, %ne3A_632 : i32
    %lt3A_634 = arith.constant 0 : i32
    %lt3A_635 = arith.cmpi slt, %rem3A_631, %lt3A_634 : i32
    %lt3A_636 = arith.constant 0 : i32
    %lt3A_637 = arith.cmpi slt, %select_n3A_630, %lt3A_636 : i32
    %ne3A_638 = arith.xori %lt3A_635, %lt3A_637 : i1
    %and3A_639 = arith.andi %ne3A_638, %ne3A_633 : i1
    %add3A_640 = arith.addi %rem3A_631, %select_n3A_630 : i32
    %select_n3A_641 = arith.select %and3A_639, %add3A_640, %rem3A_631 : i32
    %select_n3A_642 = arith.select %lt3A_599, %select_n3A_621, %select_n3A_641 : i32
    %dma_start3A_643 = arith.constant 0 : i32
    %dma_start3A_644 = tpu.memref_slice %arg2[%add3A_597, %dma_start3A_643] : memref<32x4096xf32, #tpu.memory_space<hbm>> -> memref<1x4096xf32, #tpu.memory_space<hbm>>
    %dma_start3A_645 = tpu.memref_squeeze %dma_start3A_644 : memref<1x4096xf32, #tpu.memory_space<hbm>> -> memref<4096xf32, #tpu.memory_space<hbm>>
    %dma_start3A_646 = arith.constant 0 : i32
    %dma_start3A_647 = tpu.memref_slice %arg1[%select_n3A_642, %dma_start3A_646] : memref<4096x4096xf32, #tpu.memory_space<hbm>> -> memref<1x4096xf32, #tpu.memory_space<hbm>>
    %dma_start3A_648 = tpu.memref_squeeze %dma_start3A_647 : memref<1x4096xf32, #tpu.memory_space<hbm>> -> memref<4096xf32, #tpu.memory_space<hbm>>
    tpu.enqueue_dma source(%dma_start3A_648 : memref<4096xf32, #tpu.memory_space<hbm>>) target(%dma_start3A_645 : memref<4096xf32, #tpu.memory_space<hbm>>) target_semaphore(%arg3 : memref<!tpu.dma_semaphore, #tpu.memory_space<semaphore_mem>>)
    %mul3A_649 = arith.constant 16 : i32
    %mul3A_650 = arith.muli %arg0, %mul3A_649 : i32
    %add3A_651 = arith.constant 12 : i32
    %add3A_652 = arith.addi %mul3A_650, %add3A_651 : i32
    %lt3A_653 = arith.constant 16 : i32
    %lt3A_654 = arith.cmpi slt, %add3A_652, %lt3A_653 : i32
    %mul3A_655 = arith.constant 256 : i32
    %mul3A_656 = arith.muli %add3A_652, %mul3A_655 : i32
    %add3A_657 = arith.constant 4096 : i32
    %add3A_658 = arith.addi %mul3A_656, %add3A_657 : i32
    %sub3A_659 = arith.constant 1 : i32
    %sub3A_660 = arith.subi %add3A_658, %sub3A_659 : i32
    %jit3A_661 = arith.constant 4096 : i32
    %eq3A_662 = arith.constant 0 : i32
    %eq3A_663 = arith.cmpi eq, %jit3A_661, %eq3A_662 : i32
    %jit3A_664 = arith.constant 1 : i32
    %select_n3A_665 = arith.select %eq3A_663, %jit3A_664, %jit3A_661 : i32
    %rem3A_666 = arith.remsi %sub3A_660, %select_n3A_665 : i32
    %ne3A_667 = arith.constant 0 : i32
    %ne3A_668 = arith.cmpi ne, %rem3A_666, %ne3A_667 : i32
    %lt3A_669 = arith.constant 0 : i32
    %lt3A_670 = arith.cmpi slt, %rem3A_666, %lt3A_669 : i32
    %lt3A_671 = arith.constant 0 : i32
    %lt3A_672 = arith.cmpi slt, %select_n3A_665, %lt3A_671 : i32
    %ne3A_673 = arith.xori %lt3A_670, %lt3A_672 : i1
    %and3A_674 = arith.andi %ne3A_673, %ne3A_668 : i1
    %add3A_675 = arith.addi %rem3A_666, %select_n3A_665 : i32
    %select_n3A_676 = arith.select %and3A_674, %add3A_675, %rem3A_666 : i32
    %sub3A_677 = arith.constant 15 : i32
    %sub3A_678 = arith.subi %add3A_652, %sub3A_677 : i32
    %mul3A_679 = arith.constant 256 : i32
    %mul3A_680 = arith.muli %sub3A_678, %mul3A_679 : i32
    %jit3A_681 = arith.constant 4096 : i32
    %eq3A_682 = arith.constant 0 : i32
    %eq3A_683 = arith.cmpi eq, %jit3A_681, %eq3A_682 : i32
    %jit3A_684 = arith.constant 1 : i32
    %select_n3A_685 = arith.select %eq3A_683, %jit3A_684, %jit3A_681 : i32
    %rem3A_686 = arith.remsi %mul3A_680, %select_n3A_685 : i32
    %ne3A_687 = arith.constant 0 : i32
    %ne3A_688 = arith.cmpi ne, %rem3A_686, %ne3A_687 : i32
    %lt3A_689 = arith.constant 0 : i32
    %lt3A_690 = arith.cmpi slt, %rem3A_686, %lt3A_689 : i32
    %lt3A_691 = arith.constant 0 : i32
    %lt3A_692 = arith.cmpi slt, %select_n3A_685, %lt3A_691 : i32
    %ne3A_693 = arith.xori %lt3A_690, %lt3A_692 : i1
    %and3A_694 = arith.andi %ne3A_693, %ne3A_688 : i1
    %add3A_695 = arith.addi %rem3A_686, %select_n3A_685 : i32
    %select_n3A_696 = arith.select %and3A_694, %add3A_695, %rem3A_686 : i32
    %select_n3A_697 = arith.select %lt3A_654, %select_n3A_676, %select_n3A_696 : i32
    %dma_start3A_698 = arith.constant 0 : i32
    %dma_start3A_699 = tpu.memref_slice %arg2[%add3A_652, %dma_start3A_698] : memref<32x4096xf32, #tpu.memory_space<hbm>> -> memref<1x4096xf32, #tpu.memory_space<hbm>>
    %dma_start3A_700 = tpu.memref_squeeze %dma_start3A_699 : memref<1x4096xf32, #tpu.memory_space<hbm>> -> memref<4096xf32, #tpu.memory_space<hbm>>
    %dma_start3A_701 = arith.constant 0 : i32
    %dma_start3A_702 = tpu.memref_slice %arg1[%select_n3A_697, %dma_start3A_701] : memref<4096x4096xf32, #tpu.memory_space<hbm>> -> memref<1x4096xf32, #tpu.memory_space<hbm>>
    %dma_start3A_703 = tpu.memref_squeeze %dma_start3A_702 : memref<1x4096xf32, #tpu.memory_space<hbm>> -> memref<4096xf32, #tpu.memory_space<hbm>>
    tpu.enqueue_dma source(%dma_start3A_703 : memref<4096xf32, #tpu.memory_space<hbm>>) target(%dma_start3A_700 : memref<4096xf32, #tpu.memory_space<hbm>>) target_semaphore(%arg3 : memref<!tpu.dma_semaphore, #tpu.memory_space<semaphore_mem>>)
    %mul3A_704 = arith.constant 16 : i32
    %mul3A_705 = arith.muli %arg0, %mul3A_704 : i32
    %add3A_706 = arith.constant 13 : i32
    %add3A_707 = arith.addi %mul3A_705, %add3A_706 : i32
    %lt3A_708 = arith.constant 16 : i32
    %lt3A_709 = arith.cmpi slt, %add3A_707, %lt3A_708 : i32
    %mul3A_710 = arith.constant 256 : i32
    %mul3A_711 = arith.muli %add3A_707, %mul3A_710 : i32
    %add3A_712 = arith.constant 4096 : i32
    %add3A_713 = arith.addi %mul3A_711, %add3A_712 : i32
    %sub3A_714 = arith.constant 1 : i32
    %sub3A_715 = arith.subi %add3A_713, %sub3A_714 : i32
    %jit3A_716 = arith.constant 4096 : i32
    %eq3A_717 = arith.constant 0 : i32
    %eq3A_718 = arith.cmpi eq, %jit3A_716, %eq3A_717 : i32
    %jit3A_719 = arith.constant 1 : i32
    %select_n3A_720 = arith.select %eq3A_718, %jit3A_719, %jit3A_716 : i32
    %rem3A_721 = arith.remsi %sub3A_715, %select_n3A_720 : i32
    %ne3A_722 = arith.constant 0 : i32
    %ne3A_723 = arith.cmpi ne, %rem3A_721, %ne3A_722 : i32
    %lt3A_724 = arith.constant 0 : i32
    %lt3A_725 = arith.cmpi slt, %rem3A_721, %lt3A_724 : i32
    %lt3A_726 = arith.constant 0 : i32
    %lt3A_727 = arith.cmpi slt, %select_n3A_720, %lt3A_726 : i32
    %ne3A_728 = arith.xori %lt3A_725, %lt3A_727 : i1
    %and3A_729 = arith.andi %ne3A_728, %ne3A_723 : i1
    %add3A_730 = arith.addi %rem3A_721, %select_n3A_720 : i32
    %select_n3A_731 = arith.select %and3A_729, %add3A_730, %rem3A_721 : i32
    %sub3A_732 = arith.constant 15 : i32
    %sub3A_733 = arith.subi %add3A_707, %sub3A_732 : i32
    %mul3A_734 = arith.constant 256 : i32
    %mul3A_735 = arith.muli %sub3A_733, %mul3A_734 : i32
    %jit3A_736 = arith.constant 4096 : i32
    %eq3A_737 = arith.constant 0 : i32
    %eq3A_738 = arith.cmpi eq, %jit3A_736, %eq3A_737 : i32
    %jit3A_739 = arith.constant 1 : i32
    %select_n3A_740 = arith.select %eq3A_738, %jit3A_739, %jit3A_736 : i32
    %rem3A_741 = arith.remsi %mul3A_735, %select_n3A_740 : i32
    %ne3A_742 = arith.constant 0 : i32
    %ne3A_743 = arith.cmpi ne, %rem3A_741, %ne3A_742 : i32
    %lt3A_744 = arith.constant 0 : i32
    %lt3A_745 = arith.cmpi slt, %rem3A_741, %lt3A_744 : i32
    %lt3A_746 = arith.constant 0 : i32
    %lt3A_747 = arith.cmpi slt, %select_n3A_740, %lt3A_746 : i32
    %ne3A_748 = arith.xori %lt3A_745, %lt3A_747 : i1
    %and3A_749 = arith.andi %ne3A_748, %ne3A_743 : i1
    %add3A_750 = arith.addi %rem3A_741, %select_n3A_740 : i32
    %select_n3A_751 = arith.select %and3A_749, %add3A_750, %rem3A_741 : i32
    %select_n3A_752 = arith.select %lt3A_709, %select_n3A_731, %select_n3A_751 : i32
    %dma_start3A_753 = arith.constant 0 : i32
    %dma_start3A_754 = tpu.memref_slice %arg2[%add3A_707, %dma_start3A_753] : memref<32x4096xf32, #tpu.memory_space<hbm>> -> memref<1x4096xf32, #tpu.memory_space<hbm>>
    %dma_start3A_755 = tpu.memref_squeeze %dma_start3A_754 : memref<1x4096xf32, #tpu.memory_space<hbm>> -> memref<4096xf32, #tpu.memory_space<hbm>>
    %dma_start3A_756 = arith.constant 0 : i32
    %dma_start3A_757 = tpu.memref_slice %arg1[%select_n3A_752, %dma_start3A_756] : memref<4096x4096xf32, #tpu.memory_space<hbm>> -> memref<1x4096xf32, #tpu.memory_space<hbm>>
    %dma_start3A_758 = tpu.memref_squeeze %dma_start3A_757 : memref<1x4096xf32, #tpu.memory_space<hbm>> -> memref<4096xf32, #tpu.memory_space<hbm>>
    tpu.enqueue_dma source(%dma_start3A_758 : memref<4096xf32, #tpu.memory_space<hbm>>) target(%dma_start3A_755 : memref<4096xf32, #tpu.memory_space<hbm>>) target_semaphore(%arg3 : memref<!tpu.dma_semaphore, #tpu.memory_space<semaphore_mem>>)
    %mul3A_759 = arith.constant 16 : i32
    %mul3A_760 = arith.muli %arg0, %mul3A_759 : i32
    %add3A_761 = arith.constant 14 : i32
    %add3A_762 = arith.addi %mul3A_760, %add3A_761 : i32
    %lt3A_763 = arith.constant 16 : i32
    %lt3A_764 = arith.cmpi slt, %add3A_762, %lt3A_763 : i32
    %mul3A_765 = arith.constant 256 : i32
    %mul3A_766 = arith.muli %add3A_762, %mul3A_765 : i32
    %add3A_767 = arith.constant 4096 : i32
    %add3A_768 = arith.addi %mul3A_766, %add3A_767 : i32
    %sub3A_769 = arith.constant 1 : i32
    %sub3A_770 = arith.subi %add3A_768, %sub3A_769 : i32
    %jit3A_771 = arith.constant 4096 : i32
    %eq3A_772 = arith.constant 0 : i32
    %eq3A_773 = arith.cmpi eq, %jit3A_771, %eq3A_772 : i32
    %jit3A_774 = arith.constant 1 : i32
    %select_n3A_775 = arith.select %eq3A_773, %jit3A_774, %jit3A_771 : i32
    %rem3A_776 = arith.remsi %sub3A_770, %select_n3A_775 : i32
    %ne3A_777 = arith.constant 0 : i32
    %ne3A_778 = arith.cmpi ne, %rem3A_776, %ne3A_777 : i32
    %lt3A_779 = arith.constant 0 : i32
    %lt3A_780 = arith.cmpi slt, %rem3A_776, %lt3A_779 : i32
    %lt3A_781 = arith.constant 0 : i32
    %lt3A_782 = arith.cmpi slt, %select_n3A_775, %lt3A_781 : i32
    %ne3A_783 = arith.xori %lt3A_780, %lt3A_782 : i1
    %and3A_784 = arith.andi %ne3A_783, %ne3A_778 : i1
    %add3A_785 = arith.addi %rem3A_776, %select_n3A_775 : i32
    %select_n3A_786 = arith.select %and3A_784, %add3A_785, %rem3A_776 : i32
    %sub3A_787 = arith.constant 15 : i32
    %sub3A_788 = arith.subi %add3A_762, %sub3A_787 : i32
    %mul3A_789 = arith.constant 256 : i32
    %mul3A_790 = arith.muli %sub3A_788, %mul3A_789 : i32
    %jit3A_791 = arith.constant 4096 : i32
    %eq3A_792 = arith.constant 0 : i32
    %eq3A_793 = arith.cmpi eq, %jit3A_791, %eq3A_792 : i32
    %jit3A_794 = arith.constant 1 : i32
    %select_n3A_795 = arith.select %eq3A_793, %jit3A_794, %jit3A_791 : i32
    %rem3A_796 = arith.remsi %mul3A_790, %select_n3A_795 : i32
    %ne3A_797 = arith.constant 0 : i32
    %ne3A_798 = arith.cmpi ne, %rem3A_796, %ne3A_797 : i32
    %lt3A_799 = arith.constant 0 : i32
    %lt3A_800 = arith.cmpi slt, %rem3A_796, %lt3A_799 : i32
    %lt3A_801 = arith.constant 0 : i32
    %lt3A_802 = arith.cmpi slt, %select_n3A_795, %lt3A_801 : i32
    %ne3A_803 = arith.xori %lt3A_800, %lt3A_802 : i1
    %and3A_804 = arith.andi %ne3A_803, %ne3A_798 : i1
    %add3A_805 = arith.addi %rem3A_796, %select_n3A_795 : i32
    %select_n3A_806 = arith.select %and3A_804, %add3A_805, %rem3A_796 : i32
    %select_n3A_807 = arith.select %lt3A_764, %select_n3A_786, %select_n3A_806 : i32
    %dma_start3A_808 = arith.constant 0 : i32
    %dma_start3A_809 = tpu.memref_slice %arg2[%add3A_762, %dma_start3A_808] : memref<32x4096xf32, #tpu.memory_space<hbm>> -> memref<1x4096xf32, #tpu.memory_space<hbm>>
    %dma_start3A_810 = tpu.memref_squeeze %dma_start3A_809 : memref<1x4096xf32, #tpu.memory_space<hbm>> -> memref<4096xf32, #tpu.memory_space<hbm>>
    %dma_start3A_811 = arith.constant 0 : i32
    %dma_start3A_812 = tpu.memref_slice %arg1[%select_n3A_807, %dma_start3A_811] : memref<4096x4096xf32, #tpu.memory_space<hbm>> -> memref<1x4096xf32, #tpu.memory_space<hbm>>
    %dma_start3A_813 = tpu.memref_squeeze %dma_start3A_812 : memref<1x4096xf32, #tpu.memory_space<hbm>> -> memref<4096xf32, #tpu.memory_space<hbm>>
    tpu.enqueue_dma source(%dma_start3A_813 : memref<4096xf32, #tpu.memory_space<hbm>>) target(%dma_start3A_810 : memref<4096xf32, #tpu.memory_space<hbm>>) target_semaphore(%arg3 : memref<!tpu.dma_semaphore, #tpu.memory_space<semaphore_mem>>)
    %mul3A_814 = arith.constant 16 : i32
    %mul3A_815 = arith.muli %arg0, %mul3A_814 : i32
    %add3A_816 = arith.constant 15 : i32
    %add3A_817 = arith.addi %mul3A_815, %add3A_816 : i32
    %lt3A_818 = arith.constant 16 : i32
    %lt3A_819 = arith.cmpi slt, %add3A_817, %lt3A_818 : i32
    %mul3A_820 = arith.constant 256 : i32
    %mul3A_821 = arith.muli %add3A_817, %mul3A_820 : i32
    %add3A_822 = arith.constant 4096 : i32
    %add3A_823 = arith.addi %mul3A_821, %add3A_822 : i32
    %sub3A_824 = arith.constant 1 : i32
    %sub3A_825 = arith.subi %add3A_823, %sub3A_824 : i32
    %jit3A_826 = arith.constant 4096 : i32
    %eq3A_827 = arith.constant 0 : i32
    %eq3A_828 = arith.cmpi eq, %jit3A_826, %eq3A_827 : i32
    %jit3A_829 = arith.constant 1 : i32
    %select_n3A_830 = arith.select %eq3A_828, %jit3A_829, %jit3A_826 : i32
    %rem3A_831 = arith.remsi %sub3A_825, %select_n3A_830 : i32
    %ne3A_832 = arith.constant 0 : i32
    %ne3A_833 = arith.cmpi ne, %rem3A_831, %ne3A_832 : i32
    %lt3A_834 = arith.constant 0 : i32
    %lt3A_835 = arith.cmpi slt, %rem3A_831, %lt3A_834 : i32
    %lt3A_836 = arith.constant 0 : i32
    %lt3A_837 = arith.cmpi slt, %select_n3A_830, %lt3A_836 : i32
    %ne3A_838 = arith.xori %lt3A_835, %lt3A_837 : i1
    %and3A_839 = arith.andi %ne3A_838, %ne3A_833 : i1
    %add3A_840 = arith.addi %rem3A_831, %select_n3A_830 : i32
    %select_n3A_841 = arith.select %and3A_839, %add3A_840, %rem3A_831 : i32
    %sub3A_842 = arith.constant 15 : i32
    %sub3A_843 = arith.subi %add3A_817, %sub3A_842 : i32
    %mul3A_844 = arith.constant 256 : i32
    %mul3A_845 = arith.muli %sub3A_843, %mul3A_844 : i32
    %jit3A_846 = arith.constant 4096 : i32
    %eq3A_847 = arith.constant 0 : i32
    %eq3A_848 = arith.cmpi eq, %jit3A_846, %eq3A_847 : i32
    %jit3A_849 = arith.constant 1 : i32
    %select_n3A_850 = arith.select %eq3A_848, %jit3A_849, %jit3A_846 : i32
    %rem3A_851 = arith.remsi %mul3A_845, %select_n3A_850 : i32
    %ne3A_852 = arith.constant 0 : i32
    %ne3A_853 = arith.cmpi ne, %rem3A_851, %ne3A_852 : i32
    %lt3A_854 = arith.constant 0 : i32
    %lt3A_855 = arith.cmpi slt, %rem3A_851, %lt3A_854 : i32
    %lt3A_856 = arith.constant 0 : i32
    %lt3A_857 = arith.cmpi slt, %select_n3A_850, %lt3A_856 : i32
    %ne3A_858 = arith.xori %lt3A_855, %lt3A_857 : i1
    %and3A_859 = arith.andi %ne3A_858, %ne3A_853 : i1
    %add3A_860 = arith.addi %rem3A_851, %select_n3A_850 : i32
    %select_n3A_861 = arith.select %and3A_859, %add3A_860, %rem3A_851 : i32
    %select_n3A_862 = arith.select %lt3A_819, %select_n3A_841, %select_n3A_861 : i32
    %dma_start3A_863 = arith.constant 0 : i32
    %dma_start3A_864 = tpu.memref_slice %arg2[%add3A_817, %dma_start3A_863] : memref<32x4096xf32, #tpu.memory_space<hbm>> -> memref<1x4096xf32, #tpu.memory_space<hbm>>
    %dma_start3A_865 = tpu.memref_squeeze %dma_start3A_864 : memref<1x4096xf32, #tpu.memory_space<hbm>> -> memref<4096xf32, #tpu.memory_space<hbm>>
    %dma_start3A_866 = arith.constant 0 : i32
    %dma_start3A_867 = tpu.memref_slice %arg1[%select_n3A_862, %dma_start3A_866] : memref<4096x4096xf32, #tpu.memory_space<hbm>> -> memref<1x4096xf32, #tpu.memory_space<hbm>>
    %dma_start3A_868 = tpu.memref_squeeze %dma_start3A_867 : memref<1x4096xf32, #tpu.memory_space<hbm>> -> memref<4096xf32, #tpu.memory_space<hbm>>
    tpu.enqueue_dma source(%dma_start3A_868 : memref<4096xf32, #tpu.memory_space<hbm>>) target(%dma_start3A_865 : memref<4096xf32, #tpu.memory_space<hbm>>) target_semaphore(%arg3 : memref<!tpu.dma_semaphore, #tpu.memory_space<semaphore_mem>>)
    %dma_wait3A = arith.constant 0 : i32
    %dma_wait3A_869 = tpu.memref_slice %arg2[%add3A_1, %dma_wait3A] : memref<32x4096xf32, #tpu.memory_space<hbm>> -> memref<1x4096xf32, #tpu.memory_space<hbm>>
    %dma_wait3A_870 = tpu.memref_squeeze %dma_wait3A_869 : memref<1x4096xf32, #tpu.memory_space<hbm>> -> memref<4096xf32, #tpu.memory_space<hbm>>
    %dma_wait3A_871 = arith.constant 0 : i32
    %dma_wait3A_872 = tpu.memref_slice %arg1[%select_n3A_38, %dma_wait3A_871] : memref<4096x4096xf32, #tpu.memory_space<hbm>> -> memref<1x4096xf32, #tpu.memory_space<hbm>>
    %dma_wait3A_873 = tpu.memref_squeeze %dma_wait3A_872 : memref<1x4096xf32, #tpu.memory_space<hbm>> -> memref<4096xf32, #tpu.memory_space<hbm>>
    tpu.wait_dma2 semaphore(%arg3 : memref<!tpu.dma_semaphore, #tpu.memory_space<semaphore_mem>>) src(%dma_wait3A_873 : memref<4096xf32, #tpu.memory_space<hbm>>) dst(%dma_wait3A_870 : memref<4096xf32, #tpu.memory_space<hbm>>)
    %dma_wait3A_874 = arith.constant 0 : i32
    %dma_wait3A_875 = tpu.memref_slice %arg2[%add3A_47, %dma_wait3A_874] : memref<32x4096xf32, #tpu.memory_space<hbm>> -> memref<1x4096xf32, #tpu.memory_space<hbm>>
    %dma_wait3A_876 = tpu.memref_squeeze %dma_wait3A_875 : memref<1x4096xf32, #tpu.memory_space<hbm>> -> memref<4096xf32, #tpu.memory_space<hbm>>
    %dma_wait3A_877 = arith.constant 0 : i32
    %dma_wait3A_878 = tpu.memref_slice %arg1[%select_n3A_92, %dma_wait3A_877] : memref<4096x4096xf32, #tpu.memory_space<hbm>> -> memref<1x4096xf32, #tpu.memory_space<hbm>>
    %dma_wait3A_879 = tpu.memref_squeeze %dma_wait3A_878 : memref<1x4096xf32, #tpu.memory_space<hbm>> -> memref<4096xf32, #tpu.memory_space<hbm>>
    tpu.wait_dma2 semaphore(%arg3 : memref<!tpu.dma_semaphore, #tpu.memory_space<semaphore_mem>>) src(%dma_wait3A_879 : memref<4096xf32, #tpu.memory_space<hbm>>) dst(%dma_wait3A_876 : memref<4096xf32, #tpu.memory_space<hbm>>)
    %dma_wait3A_880 = arith.constant 0 : i32
    %dma_wait3A_881 = tpu.memref_slice %arg2[%add3A_102, %dma_wait3A_880] : memref<32x4096xf32, #tpu.memory_space<hbm>> -> memref<1x4096xf32, #tpu.memory_space<hbm>>
    %dma_wait3A_882 = tpu.memref_squeeze %dma_wait3A_881 : memref<1x4096xf32, #tpu.memory_space<hbm>> -> memref<4096xf32, #tpu.memory_space<hbm>>
    %dma_wait3A_883 = arith.constant 0 : i32
    %dma_wait3A_884 = tpu.memref_slice %arg1[%select_n3A_147, %dma_wait3A_883] : memref<4096x4096xf32, #tpu.memory_space<hbm>> -> memref<1x4096xf32, #tpu.memory_space<hbm>>
    %dma_wait3A_885 = tpu.memref_squeeze %dma_wait3A_884 : memref<1x4096xf32, #tpu.memory_space<hbm>> -> memref<4096xf32, #tpu.memory_space<hbm>>
    tpu.wait_dma2 semaphore(%arg3 : memref<!tpu.dma_semaphore, #tpu.memory_space<semaphore_mem>>) src(%dma_wait3A_885 : memref<4096xf32, #tpu.memory_space<hbm>>) dst(%dma_wait3A_882 : memref<4096xf32, #tpu.memory_space<hbm>>)
    %dma_wait3A_886 = arith.constant 0 : i32
    %dma_wait3A_887 = tpu.memref_slice %arg2[%add3A_157, %dma_wait3A_886] : memref<32x4096xf32, #tpu.memory_space<hbm>> -> memref<1x4096xf32, #tpu.memory_space<hbm>>
    %dma_wait3A_888 = tpu.memref_squeeze %dma_wait3A_887 : memref<1x4096xf32, #tpu.memory_space<hbm>> -> memref<4096xf32, #tpu.memory_space<hbm>>
    %dma_wait3A_889 = arith.constant 0 : i32
    %dma_wait3A_890 = tpu.memref_slice %arg1[%select_n3A_202, %dma_wait3A_889] : memref<4096x4096xf32, #tpu.memory_space<hbm>> -> memref<1x4096xf32, #tpu.memory_space<hbm>>
    %dma_wait3A_891 = tpu.memref_squeeze %dma_wait3A_890 : memref<1x4096xf32, #tpu.memory_space<hbm>> -> memref<4096xf32, #tpu.memory_space<hbm>>
    tpu.wait_dma2 semaphore(%arg3 : memref<!tpu.dma_semaphore, #tpu.memory_space<semaphore_mem>>) src(%dma_wait3A_891 : memref<4096xf32, #tpu.memory_space<hbm>>) dst(%dma_wait3A_888 : memref<4096xf32, #tpu.memory_space<hbm>>)
    %dma_wait3A_892 = arith.constant 0 : i32
    %dma_wait3A_893 = tpu.memref_slice %arg2[%add3A_212, %dma_wait3A_892] : memref<32x4096xf32, #tpu.memory_space<hbm>> -> memref<1x4096xf32, #tpu.memory_space<hbm>>
    %dma_wait3A_894 = tpu.memref_squeeze %dma_wait3A_893 : memref<1x4096xf32, #tpu.memory_space<hbm>> -> memref<4096xf32, #tpu.memory_space<hbm>>
    %dma_wait3A_895 = arith.constant 0 : i32
    %dma_wait3A_896 = tpu.memref_slice %arg1[%select_n3A_257, %dma_wait3A_895] : memref<4096x4096xf32, #tpu.memory_space<hbm>> -> memref<1x4096xf32, #tpu.memory_space<hbm>>
    %dma_wait3A_897 = tpu.memref_squeeze %dma_wait3A_896 : memref<1x4096xf32, #tpu.memory_space<hbm>> -> memref<4096xf32, #tpu.memory_space<hbm>>
    tpu.wait_dma2 semaphore(%arg3 : memref<!tpu.dma_semaphore, #tpu.memory_space<semaphore_mem>>) src(%dma_wait3A_897 : memref<4096xf32, #tpu.memory_space<hbm>>) dst(%dma_wait3A_894 : memref<4096xf32, #tpu.memory_space<hbm>>)
    %dma_wait3A_898 = arith.constant 0 : i32
    %dma_wait3A_899 = tpu.memref_slice %arg2[%add3A_267, %dma_wait3A_898] : memref<32x4096xf32, #tpu.memory_space<hbm>> -> memref<1x4096xf32, #tpu.memory_space<hbm>>
    %dma_wait3A_900 = tpu.memref_squeeze %dma_wait3A_899 : memref<1x4096xf32, #tpu.memory_space<hbm>> -> memref<4096xf32, #tpu.memory_space<hbm>>
    %dma_wait3A_901 = arith.constant 0 : i32
    %dma_wait3A_902 = tpu.memref_slice %arg1[%select_n3A_312, %dma_wait3A_901] : memref<4096x4096xf32, #tpu.memory_space<hbm>> -> memref<1x4096xf32, #tpu.memory_space<hbm>>
    %dma_wait3A_903 = tpu.memref_squeeze %dma_wait3A_902 : memref<1x4096xf32, #tpu.memory_space<hbm>> -> memref<4096xf32, #tpu.memory_space<hbm>>
    tpu.wait_dma2 semaphore(%arg3 : memref<!tpu.dma_semaphore, #tpu.memory_space<semaphore_mem>>) src(%dma_wait3A_903 : memref<4096xf32, #tpu.memory_space<hbm>>) dst(%dma_wait3A_900 : memref<4096xf32, #tpu.memory_space<hbm>>)
    %dma_wait3A_904 = arith.constant 0 : i32
    %dma_wait3A_905 = tpu.memref_slice %arg2[%add3A_322, %dma_wait3A_904] : memref<32x4096xf32, #tpu.memory_space<hbm>> -> memref<1x4096xf32, #tpu.memory_space<hbm>>
    %dma_wait3A_906 = tpu.memref_squeeze %dma_wait3A_905 : memref<1x4096xf32, #tpu.memory_space<hbm>> -> memref<4096xf32, #tpu.memory_space<hbm>>
    %dma_wait3A_907 = arith.constant 0 : i32
    %dma_wait3A_908 = tpu.memref_slice %arg1[%select_n3A_367, %dma_wait3A_907] : memref<4096x4096xf32, #tpu.memory_space<hbm>> -> memref<1x4096xf32, #tpu.memory_space<hbm>>
    %dma_wait3A_909 = tpu.memref_squeeze %dma_wait3A_908 : memref<1x4096xf32, #tpu.memory_space<hbm>> -> memref<4096xf32, #tpu.memory_space<hbm>>
    tpu.wait_dma2 semaphore(%arg3 : memref<!tpu.dma_semaphore, #tpu.memory_space<semaphore_mem>>) src(%dma_wait3A_909 : memref<4096xf32, #tpu.memory_space<hbm>>) dst(%dma_wait3A_906 : memref<4096xf32, #tpu.memory_space<hbm>>)
    %dma_wait3A_910 = arith.constant 0 : i32
    %dma_wait3A_911 = tpu.memref_slice %arg2[%add3A_377, %dma_wait3A_910] : memref<32x4096xf32, #tpu.memory_space<hbm>> -> memref<1x4096xf32, #tpu.memory_space<hbm>>
    %dma_wait3A_912 = tpu.memref_squeeze %dma_wait3A_911 : memref<1x4096xf32, #tpu.memory_space<hbm>> -> memref<4096xf32, #tpu.memory_space<hbm>>
    %dma_wait3A_913 = arith.constant 0 : i32
    %dma_wait3A_914 = tpu.memref_slice %arg1[%select_n3A_422, %dma_wait3A_913] : memref<4096x4096xf32, #tpu.memory_space<hbm>> -> memref<1x4096xf32, #tpu.memory_space<hbm>>
    %dma_wait3A_915 = tpu.memref_squeeze %dma_wait3A_914 : memref<1x4096xf32, #tpu.memory_space<hbm>> -> memref<4096xf32, #tpu.memory_space<hbm>>
    tpu.wait_dma2 semaphore(%arg3 : memref<!tpu.dma_semaphore, #tpu.memory_space<semaphore_mem>>) src(%dma_wait3A_915 : memref<4096xf32, #tpu.memory_space<hbm>>) dst(%dma_wait3A_912 : memref<4096xf32, #tpu.memory_space<hbm>>)
    %dma_wait3A_916 = arith.constant 0 : i32
    %dma_wait3A_917 = tpu.memref_slice %arg2[%add3A_432, %dma_wait3A_916] : memref<32x4096xf32, #tpu.memory_space<hbm>> -> memref<1x4096xf32, #tpu.memory_space<hbm>>
    %dma_wait3A_918 = tpu.memref_squeeze %dma_wait3A_917 : memref<1x4096xf32, #tpu.memory_space<hbm>> -> memref<4096xf32, #tpu.memory_space<hbm>>
    %dma_wait3A_919 = arith.constant 0 : i32
    %dma_wait3A_920 = tpu.memref_slice %arg1[%select_n3A_477, %dma_wait3A_919] : memref<4096x4096xf32, #tpu.memory_space<hbm>> -> memref<1x4096xf32, #tpu.memory_space<hbm>>
    %dma_wait3A_921 = tpu.memref_squeeze %dma_wait3A_920 : memref<1x4096xf32, #tpu.memory_space<hbm>> -> memref<4096xf32, #tpu.memory_space<hbm>>
    tpu.wait_dma2 semaphore(%arg3 : memref<!tpu.dma_semaphore, #tpu.memory_space<semaphore_mem>>) src(%dma_wait3A_921 : memref<4096xf32, #tpu.memory_space<hbm>>) dst(%dma_wait3A_918 : memref<4096xf32, #tpu.memory_space<hbm>>)
    %dma_wait3A_922 = arith.constant 0 : i32
    %dma_wait3A_923 = tpu.memref_slice %arg2[%add3A_487, %dma_wait3A_922] : memref<32x4096xf32, #tpu.memory_space<hbm>> -> memref<1x4096xf32, #tpu.memory_space<hbm>>
    %dma_wait3A_924 = tpu.memref_squeeze %dma_wait3A_923 : memref<1x4096xf32, #tpu.memory_space<hbm>> -> memref<4096xf32, #tpu.memory_space<hbm>>
    %dma_wait3A_925 = arith.constant 0 : i32
    %dma_wait3A_926 = tpu.memref_slice %arg1[%select_n3A_532, %dma_wait3A_925] : memref<4096x4096xf32, #tpu.memory_space<hbm>> -> memref<1x4096xf32, #tpu.memory_space<hbm>>
    %dma_wait3A_927 = tpu.memref_squeeze %dma_wait3A_926 : memref<1x4096xf32, #tpu.memory_space<hbm>> -> memref<4096xf32, #tpu.memory_space<hbm>>
    tpu.wait_dma2 semaphore(%arg3 : memref<!tpu.dma_semaphore, #tpu.memory_space<semaphore_mem>>) src(%dma_wait3A_927 : memref<4096xf32, #tpu.memory_space<hbm>>) dst(%dma_wait3A_924 : memref<4096xf32, #tpu.memory_space<hbm>>)
    %dma_wait3A_928 = arith.constant 0 : i32
    %dma_wait3A_929 = tpu.memref_slice %arg2[%add3A_542, %dma_wait3A_928] : memref<32x4096xf32, #tpu.memory_space<hbm>> -> memref<1x4096xf32, #tpu.memory_space<hbm>>
    %dma_wait3A_930 = tpu.memref_squeeze %dma_wait3A_929 : memref<1x4096xf32, #tpu.memory_space<hbm>> -> memref<4096xf32, #tpu.memory_space<hbm>>
    %dma_wait3A_931 = arith.constant 0 : i32
    %dma_wait3A_932 = tpu.memref_slice %arg1[%select_n3A_587, %dma_wait3A_931] : memref<4096x4096xf32, #tpu.memory_space<hbm>> -> memref<1x4096xf32, #tpu.memory_space<hbm>>
    %dma_wait3A_933 = tpu.memref_squeeze %dma_wait3A_932 : memref<1x4096xf32, #tpu.memory_space<hbm>> -> memref<4096xf32, #tpu.memory_space<hbm>>
    tpu.wait_dma2 semaphore(%arg3 : memref<!tpu.dma_semaphore, #tpu.memory_space<semaphore_mem>>) src(%dma_wait3A_933 : memref<4096xf32, #tpu.memory_space<hbm>>) dst(%dma_wait3A_930 : memref<4096xf32, #tpu.memory_space<hbm>>)
    %dma_wait3A_934 = arith.constant 0 : i32
    %dma_wait3A_935 = tpu.memref_slice %arg2[%add3A_597, %dma_wait3A_934] : memref<32x4096xf32, #tpu.memory_space<hbm>> -> memref<1x4096xf32, #tpu.memory_space<hbm>>
    %dma_wait3A_936 = tpu.memref_squeeze %dma_wait3A_935 : memref<1x4096xf32, #tpu.memory_space<hbm>> -> memref<4096xf32, #tpu.memory_space<hbm>>
    %dma_wait3A_937 = arith.constant 0 : i32
    %dma_wait3A_938 = tpu.memref_slice %arg1[%select_n3A_642, %dma_wait3A_937] : memref<4096x4096xf32, #tpu.memory_space<hbm>> -> memref<1x4096xf32, #tpu.memory_space<hbm>>
    %dma_wait3A_939 = tpu.memref_squeeze %dma_wait3A_938 : memref<1x4096xf32, #tpu.memory_space<hbm>> -> memref<4096xf32, #tpu.memory_space<hbm>>
    tpu.wait_dma2 semaphore(%arg3 : memref<!tpu.dma_semaphore, #tpu.memory_space<semaphore_mem>>) src(%dma_wait3A_939 : memref<4096xf32, #tpu.memory_space<hbm>>) dst(%dma_wait3A_936 : memref<4096xf32, #tpu.memory_space<hbm>>)
    %dma_wait3A_940 = arith.constant 0 : i32
    %dma_wait3A_941 = tpu.memref_slice %arg2[%add3A_652, %dma_wait3A_940] : memref<32x4096xf32, #tpu.memory_space<hbm>> -> memref<1x4096xf32, #tpu.memory_space<hbm>>
    %dma_wait3A_942 = tpu.memref_squeeze %dma_wait3A_941 : memref<1x4096xf32, #tpu.memory_space<hbm>> -> memref<4096xf32, #tpu.memory_space<hbm>>
    %dma_wait3A_943 = arith.constant 0 : i32
    %dma_wait3A_944 = tpu.memref_slice %arg1[%select_n3A_697, %dma_wait3A_943] : memref<4096x4096xf32, #tpu.memory_space<hbm>> -> memref<1x4096xf32, #tpu.memory_space<hbm>>
    %dma_wait3A_945 = tpu.memref_squeeze %dma_wait3A_944 : memref<1x4096xf32, #tpu.memory_space<hbm>> -> memref<4096xf32, #tpu.memory_space<hbm>>
    tpu.wait_dma2 semaphore(%arg3 : memref<!tpu.dma_semaphore, #tpu.memory_space<semaphore_mem>>) src(%dma_wait3A_945 : memref<4096xf32, #tpu.memory_space<hbm>>) dst(%dma_wait3A_942 : memref<4096xf32, #tpu.memory_space<hbm>>)
    %dma_wait3A_946 = arith.constant 0 : i32
    %dma_wait3A_947 = tpu.memref_slice %arg2[%add3A_707, %dma_wait3A_946] : memref<32x4096xf32, #tpu.memory_space<hbm>> -> memref<1x4096xf32, #tpu.memory_space<hbm>>
    %dma_wait3A_948 = tpu.memref_squeeze %dma_wait3A_947 : memref<1x4096xf32, #tpu.memory_space<hbm>> -> memref<4096xf32, #tpu.memory_space<hbm>>
    %dma_wait3A_949 = arith.constant 0 : i32
    %dma_wait3A_950 = tpu.memref_slice %arg1[%select_n3A_752, %dma_wait3A_949] : memref<4096x4096xf32, #tpu.memory_space<hbm>> -> memref<1x4096xf32, #tpu.memory_space<hbm>>
    %dma_wait3A_951 = tpu.memref_squeeze %dma_wait3A_950 : memref<1x4096xf32, #tpu.memory_space<hbm>> -> memref<4096xf32, #tpu.memory_space<hbm>>
    tpu.wait_dma2 semaphore(%arg3 : memref<!tpu.dma_semaphore, #tpu.memory_space<semaphore_mem>>) src(%dma_wait3A_951 : memref<4096xf32, #tpu.memory_space<hbm>>) dst(%dma_wait3A_948 : memref<4096xf32, #tpu.memory_space<hbm>>)
    %dma_wait3A_952 = arith.constant 0 : i32
    %dma_wait3A_953 = tpu.memref_slice %arg2[%add3A_762, %dma_wait3A_952] : memref<32x4096xf32, #tpu.memory_space<hbm>> -> memref<1x4096xf32, #tpu.memory_space<hbm>>
    %dma_wait3A_954 = tpu.memref_squeeze %dma_wait3A_953 : memref<1x4096xf32, #tpu.memory_space<hbm>> -> memref<4096xf32, #tpu.memory_space<hbm>>
    %dma_wait3A_955 = arith.constant 0 : i32
    %dma_wait3A_956 = tpu.memref_slice %arg1[%select_n3A_807, %dma_wait3A_955] : memref<4096x4096xf32, #tpu.memory_space<hbm>> -> memref<1x4096xf32, #tpu.memory_space<hbm>>
    %dma_wait3A_957 = tpu.memref_squeeze %dma_wait3A_956 : memref<1x4096xf32, #tpu.memory_space<hbm>> -> memref<4096xf32, #tpu.memory_space<hbm>>
    tpu.wait_dma2 semaphore(%arg3 : memref<!tpu.dma_semaphore, #tpu.memory_space<semaphore_mem>>) src(%dma_wait3A_957 : memref<4096xf32, #tpu.memory_space<hbm>>) dst(%dma_wait3A_954 : memref<4096xf32, #tpu.memory_space<hbm>>)
    %dma_wait3A_958 = arith.constant 0 : i32
    %dma_wait3A_959 = tpu.memref_slice %arg2[%add3A_817, %dma_wait3A_958] : memref<32x4096xf32, #tpu.memory_space<hbm>> -> memref<1x4096xf32, #tpu.memory_space<hbm>>
    %dma_wait3A_960 = tpu.memref_squeeze %dma_wait3A_959 : memref<1x4096xf32, #tpu.memory_space<hbm>> -> memref<4096xf32, #tpu.memory_space<hbm>>
    %dma_wait3A_961 = arith.constant 0 : i32
    %dma_wait3A_962 = tpu.memref_slice %arg1[%select_n3A_862, %dma_wait3A_961] : memref<4096x4096xf32, #tpu.memory_space<hbm>> -> memref<1x4096xf32, #tpu.memory_space<hbm>>
    %dma_wait3A_963 = tpu.memref_squeeze %dma_wait3A_962 : memref<1x4096xf32, #tpu.memory_space<hbm>> -> memref<4096xf32, #tpu.memory_space<hbm>>
    tpu.wait_dma2 semaphore(%arg3 : memref<!tpu.dma_semaphore, #tpu.memory_space<semaphore_mem>>) src(%dma_wait3A_963 : memref<4096xf32, #tpu.memory_space<hbm>>) dst(%dma_wait3A_960 : memref<4096xf32, #tpu.memory_space<hbm>>)
    return
  }
}

module attributes {stable_mosaic.version = 14 : i64} {
  func.func @_stencil_kernel(%arg0: i32, %arg1: memref<1xf32, #tpu.memory_space<smem>>, %arg2: memref<1x1x4096xf32, #tpu.memory_space<vmem>>, %arg3: memref<1x1x4096xf32, #tpu.memory_space<vmem>>, %arg4: memref<1x1x4096xf32, #tpu.memory_space<vmem>>, %arg5: memref<256x4096xf32, #tpu.memory_space<vmem>>, %arg6: memref<4096x256xi32, #tpu.memory_space<vmem>>) attributes {dimension_semantics = [#tpu.dimension_semantics<arbitrary>], iteration_bounds = array<i64: 16>, scalar_prefetch = 0 : i64, scratch_operands = 0 : i64, tpu.core_type = #tpu.core_type<tc>, window_params = [{transform_indices = @transform_0, window_bounds = array<i64: 1>}, {transform_indices = @transform_1, window_bounds = array<i64: 1, 1, 4096>}, {transform_indices = @transform_2, window_bounds = array<i64: 1, 1, 4096>}, {transform_indices = @transform_3, window_bounds = array<i64: 1, 1, 4096>}, {transform_indices = @transform_4, window_bounds = array<i64: 256, 4096>}, {transform_indices = @transform_5, window_bounds = array<i64: 4096, 256>}]} {
    %get3A = arith.constant 0 : index
    %get3A_0 = memref.load %arg1[%get3A] : memref<1xf32, #tpu.memory_space<smem>>
    %get3A_1 = arith.constant 0 : index
    %get3A_2 = arith.constant 0 : index
    %get3A_3 = vector.load %arg5[%get3A_1, %get3A_2] : memref<256x4096xf32, #tpu.memory_space<vmem>>, vector<256x4096xf32>
    %get3A_4 = arith.constant 0 : index
    %get3A_5 = arith.constant 0 : index
    %get3A_6 = arith.constant 0 : index
    %get3A_7 = vector.load %arg2[%get3A_4, %get3A_5, %get3A_6] : memref<1x1x4096xf32, #tpu.memory_space<vmem>>, vector<1x1x4096xf32>
    %get3A_8 = vector.shape_cast %get3A_7 : vector<1x1x4096xf32> to vector<1x4096xf32>
    %get3A_9 = arith.constant 0 : index
    %get3A_10 = arith.constant 0 : index
    %get3A_11 = arith.constant 0 : index
    %get3A_12 = vector.load %arg3[%get3A_9, %get3A_10, %get3A_11] : memref<1x1x4096xf32, #tpu.memory_space<vmem>>, vector<1x1x4096xf32>
    %get3A_13 = vector.shape_cast %get3A_12 : vector<1x1x4096xf32> to vector<1x4096xf32>
    %get3A_14 = arith.constant 0 : index
    %get3A_15 = arith.constant 0 : index
    %get3A_16 = arith.constant 0 : index
    %get3A_17 = vector.load %arg4[%get3A_14, %get3A_15, %get3A_16] : memref<1x1x4096xf32, #tpu.memory_space<vmem>>, vector<1x1x4096xf32>
    %get3A_18 = vector.shape_cast %get3A_17 : vector<1x1x4096xf32> to vector<1x4096xf32>
    %broadcast_in_dim3A = arith.constant 0x7F800000 : f32
    %broadcast_in_dim3A_19 = vector.broadcast %broadcast_in_dim3A : f32 to vector<256x1xf32>
    %broadcast_in_dim3A_20 = arith.constant 0x7F800000 : f32
    %broadcast_in_dim3A_21 = vector.broadcast %broadcast_in_dim3A_20 : f32 to vector<1x1xf32>
    %slice3A = vector.extract_strided_slice %get3A_3 {offsets = [0, 0], sizes = [256, 4095], strides = [1, 1]} : vector<256x4096xf32> to vector<256x4095xf32>
    %concatenate3A = tpu.concatenate %broadcast_in_dim3A_19, %slice3A in 1 : vector<256x1xf32>, vector<256x4095xf32> -> vector<256x4096xf32>
    %slice3A_22 = vector.extract_strided_slice %get3A_8 {offsets = [0, 0], sizes = [1, 4095], strides = [1, 1]} : vector<1x4096xf32> to vector<1x4095xf32>
    %concatenate3A_23 = tpu.concatenate %broadcast_in_dim3A_21, %slice3A_22 in 1 : vector<1x1xf32>, vector<1x4095xf32> -> vector<1x4096xf32>
    %slice3A_24 = vector.extract_strided_slice %get3A_18 {offsets = [0, 0], sizes = [1, 4095], strides = [1, 1]} : vector<1x4096xf32> to vector<1x4095xf32>
    %concatenate3A_25 = tpu.concatenate %broadcast_in_dim3A_21, %slice3A_24 in 1 : vector<1x1xf32>, vector<1x4095xf32> -> vector<1x4096xf32>
    %slice3A_26 = vector.extract_strided_slice %get3A_3 {offsets = [0, 1], sizes = [256, 4095], strides = [1, 1]} : vector<256x4096xf32> to vector<256x4095xf32>
    %slice3A_27 = vector.extract_strided_slice %get3A_3 {offsets = [0, 0], sizes = [256, 1], strides = [1, 1]} : vector<256x4096xf32> to vector<256x1xf32>
    %concatenate3A_28 = tpu.concatenate %slice3A_26, %slice3A_27 in 1 : vector<256x4095xf32>, vector<256x1xf32> -> vector<256x4096xf32>
    %slice3A_29 = vector.extract_strided_slice %get3A_13 {offsets = [0, 1], sizes = [1, 4095], strides = [1, 1]} : vector<1x4096xf32> to vector<1x4095xf32>
    %slice3A_30 = vector.extract_strided_slice %get3A_13 {offsets = [0, 0], sizes = [1, 1], strides = [1, 1]} : vector<1x4096xf32> to vector<1x1xf32>
    %concatenate3A_31 = tpu.concatenate %slice3A_29, %slice3A_30 in 1 : vector<1x4095xf32>, vector<1x1xf32> -> vector<1x4096xf32>
    %slice3A_32 = vector.extract_strided_slice %get3A_3 {offsets = [0, 1], sizes = [256, 4095], strides = [1, 1]} : vector<256x4096xf32> to vector<256x4095xf32>
    %concatenate3A_33 = tpu.concatenate %slice3A_32, %broadcast_in_dim3A_19 in 1 : vector<256x4095xf32>, vector<256x1xf32> -> vector<256x4096xf32>
    %slice3A_34 = vector.extract_strided_slice %get3A_18 {offsets = [0, 1], sizes = [1, 4095], strides = [1, 1]} : vector<1x4096xf32> to vector<1x4095xf32>
    %concatenate3A_35 = tpu.concatenate %slice3A_34, %broadcast_in_dim3A_21 in 1 : vector<1x4095xf32>, vector<1x1xf32> -> vector<1x4096xf32>
    %slice3A_36 = vector.extract_strided_slice %concatenate3A {offsets = [0, 0], sizes = [255, 4096], strides = [1, 1]} : vector<256x4096xf32> to vector<255x4096xf32>
    %concatenate3A_37 = tpu.concatenate %concatenate3A_23, %slice3A_36 in 0 : vector<1x4096xf32>, vector<255x4096xf32> -> vector<256x4096xf32>
    %slice3A_38 = vector.extract_strided_slice %concatenate3A {offsets = [1, 0], sizes = [255, 4096], strides = [1, 1]} : vector<256x4096xf32> to vector<255x4096xf32>
    %concatenate3A_39 = tpu.concatenate %slice3A_38, %concatenate3A_25 in 0 : vector<255x4096xf32>, vector<1x4096xf32> -> vector<256x4096xf32>
    %slice3A_40 = vector.extract_strided_slice %concatenate3A_33 {offsets = [1, 0], sizes = [255, 4096], strides = [1, 1]} : vector<256x4096xf32> to vector<255x4096xf32>
    %concatenate3A_41 = tpu.concatenate %slice3A_40, %concatenate3A_35 in 0 : vector<255x4096xf32>, vector<1x4096xf32> -> vector<256x4096xf32>
    %slice3A_42 = vector.extract_strided_slice %concatenate3A_28 {offsets = [0, 0], sizes = [255, 4096], strides = [1, 1]} : vector<256x4096xf32> to vector<255x4096xf32>
    %concatenate3A_43 = tpu.concatenate %concatenate3A_31, %slice3A_42 in 0 : vector<1x4096xf32>, vector<255x4096xf32> -> vector<256x4096xf32>
    %sub3A = arith.subf %concatenate3A_37, %get3A_3 : vector<256x4096xf32>
    %abs3A = math.absf %sub3A : vector<256x4096xf32>
    %le3A = vector.broadcast %get3A_0 : f32 to vector<256x4096xf32>
    %le3A_44 = arith.cmpf ole, %abs3A, %le3A : vector<256x4096xf32>
    %sub3A_45 = arith.subf %concatenate3A_39, %get3A_3 : vector<256x4096xf32>
    %abs3A_46 = math.absf %sub3A_45 : vector<256x4096xf32>
    %le3A_47 = vector.broadcast %get3A_0 : f32 to vector<256x4096xf32>
    %le3A_48 = arith.cmpf ole, %abs3A_46, %le3A_47 : vector<256x4096xf32>
    %sub3A_49 = arith.subf %concatenate3A_41, %get3A_3 : vector<256x4096xf32>
    %abs3A_50 = math.absf %sub3A_49 : vector<256x4096xf32>
    %le3A_51 = vector.broadcast %get3A_0 : f32 to vector<256x4096xf32>
    %le3A_52 = arith.cmpf ole, %abs3A_50, %le3A_51 : vector<256x4096xf32>
    %sub3A_53 = arith.subf %concatenate3A_43, %get3A_3 : vector<256x4096xf32>
    %abs3A_54 = math.absf %sub3A_53 : vector<256x4096xf32>
    %le3A_55 = vector.broadcast %get3A_0 : f32 to vector<256x4096xf32>
    %le3A_56 = arith.cmpf ole, %abs3A_54, %le3A_55 : vector<256x4096xf32>
    %iota3A = tpu.iota {dimensions = array<i32: 0>} : vector<256x4096xi32>
    %iota3A_57 = tpu.iota {dimensions = array<i32: 1>} : vector<256x4096xi32>
    %mul3A = arith.constant 256 : i32
    %mul3A_58 = arith.muli %arg0, %mul3A : i32
    %sub3A_59 = arith.constant 1 : i32
    %sub3A_60 = arith.subi %sub3A_59, %mul3A_58 : i32
    %ge3A = vector.broadcast %sub3A_60 : i32 to vector<256x4096xi32>
    %ge3A_61 = arith.cmpi sge, %iota3A, %ge3A : vector<256x4096xi32>
    %le3A_62 = arith.constant 4094 : i32
    %le3A_63 = vector.broadcast %le3A_62 : i32 to vector<256x4096xi32>
    %le3A_64 = arith.cmpi sle, %iota3A_57, %le3A_63 : vector<256x4096xi32>
    %and3A = arith.andi %ge3A_61, %le3A_64 : vector<256x4096xi1>
    %and3A_65 = arith.andi %le3A_48, %and3A : vector<256x4096xi1>
    %or3A = arith.ori %le3A_44, %and3A_65 : vector<256x4096xi1>
    %or3A_66 = arith.ori %le3A_52, %le3A_56 : vector<256x4096xi1>
    %or3A_67 = arith.ori %or3A, %or3A_66 : vector<256x4096xi1>
    %convert_element_type3A = arith.extui %or3A_67 : vector<256x4096xi1> to vector<256x4096xi8>
    %transpose3A = tpu.transpose %convert_element_type3A, [1, 0] : vector<256x4096xi8> -> vector<4096x256xi8>
    %ne3A = arith.constant 0 : i8
    %ne3A_68 = vector.broadcast %ne3A : i8 to vector<4096x256xi8>
    %ne3A_69 = arith.cmpi ne, %transpose3A, %ne3A_68 : vector<4096x256xi8>
    %swap3A = arith.constant 0 : index
    %swap3A_70 = arith.constant 0 : index
    %swap3A_71 = vector.load %arg6[%swap3A, %swap3A_70] : memref<4096x256xi32, #tpu.memory_space<vmem>>, vector<4096x256xi32>
    %swap3A_72 = arith.extui %ne3A_69 : vector<4096x256xi1> to vector<4096x256xi32>
    %swap3A_73 = arith.constant dense<0> : vector<4096x256xi32>
    %swap3A_74 = arith.cmpi ne, %swap3A_71, %swap3A_73 : vector<4096x256xi32>
    tpu.vector_store %arg6[%swap3A, %swap3A_70], %swap3A_72 {strides = array<i32>} : memref<4096x256xi32, #tpu.memory_space<vmem>>, vector<4096x256xi32>,
    return
  }
  func.func @transform_0(%arg0: i32) -> i32 {
    %c0_i32 = arith.constant 0 : i32
    %c0_i32_0 = arith.constant 0 : i32
    return %c0_i32 : i32
  }
  func.func @transform_1(%arg0: i32) -> (i32, i32, i32) {
    %c0_i32 = arith.constant 0 : i32
    %c0_i32_0 = arith.constant 0 : i32
    %c0_i32_1 = arith.constant 0 : i32
    return %arg0, %c0_i32, %c0_i32_0 : i32, i32, i32
  }
  func.func @transform_2(%arg0: i32) -> (i32, i32, i32) {
    %c0_i32 = arith.constant 0 : i32
    %c0_i32_0 = arith.constant 0 : i32
    %c0_i32_1 = arith.constant 0 : i32
    return %arg0, %c0_i32, %c0_i32_0 : i32, i32, i32
  }
  func.func @transform_3(%arg0: i32) -> (i32, i32, i32) {
    %c0_i32 = arith.constant 0 : i32
    %c0_i32_0 = arith.constant 0 : i32
    %c0_i32_1 = arith.constant 0 : i32
    return %arg0, %c0_i32, %c0_i32_0 : i32, i32, i32
  }
  func.func @transform_4(%arg0: i32) -> (i32, i32) {
    %c0_i32 = arith.constant 0 : i32
    %c0_i32_0 = arith.constant 0 : i32
    return %arg0, %c0_i32 : i32, i32
  }
  func.func @transform_5(%arg0: i32) -> (i32, i32) {
    %c0_i32 = arith.constant 0 : i32
    %c0_i32_0 = arith.constant 0 : i32
    return %c0_i32, %arg0 : i32, i32
  }
}

</mosaic_0001>

<sc_bundles>
// kernel: kernel.4.cloned.1.call-start
scs
__scs_entry_jumppad:
0x0: {  	(pc) =	sbr.rel $0x88, $3  }
0x1: {  	(tag) =	ssettag $0x0;
	lr =	simm.s32 $0x1  }
0x2: {  	[smem:$0x3F9F] =	sst lr;
	_ =	strace $0xD0000000  }
0x3: {  	_ = 	snop  }
0x4: {  	_ = 	snop  }
0x5: {  	_ = 	snop  }
0x6: {  	_ = 	snop  }
0x7: {  	_ = 	snop  }
__scs_overlays_trampoline_lowered:
0x8: {  	[smem:$0x3FAE] =	sst s0  }
0x9: {  	[smem:$0x3FAF] =	sst s1  }
0xa: {  	[smem:$0x3FB0] =	sst s2  }
0xb: {  	[smem:$0x3FB1] =	sst s3  }
0xc: {  	[smem:$0x3FB2] =	sst s4  }
0xd: {  	[smem:$0x3FB3] =	sst s5  }
0xe: {  	[smem:$0x3FB4] =	sst s6  }
0xf: {  	[smem:$0x3FB5] =	sst s7  }
0x10: {  	[smem:$0x3FB6] =	sst s8  }
0x11: {  	[smem:$0x3FB7] =	sst s9;
	s0 =	simm.s32 @!p0 $0x0  }
0x12: {  	s1 =	sld [smem:$0x3F9D];
	s0 =	simm.s32 @p0 $0x1  }
0x13: {  	[smem:$0x3FB8] =	sst s0;
	s0 =	simm.s32 @!p1 $0x0  }
0x14: {  	s2 =	sld [smem:$0x3F9C];
	s0 =	simm.s32 @p1 $0x1  }
0x15: {  	[smem:$0x3FB9] =	sst s0;
	s0 =	simm.s32 @!p2 $0x0  }
0x16: {  	s3 =	sld [smem:$0x3FDB];
	s0 =	simm.s32 @p2 $0x1  }
0x17: {  	s4 =	simm.s32 $0x1BF5;
	[smem:$0x3FBB] =	sst s0  }
0x18: {  	s0 =	sld [smem:$0x3F9E];
	_ =	swait.ge [sflag:s4], $0x0  }
0x19: {  	s7 =	sld [smem:$0x3F9F]  }
0x1a: {  	s8 =	sadd.s32 $0xFFFFE003, lr  }
0x1b: {  	s9 =	sadd.s32 $0xFFFFFEF7, lr;
	s5 =	simm.s32 $0xFFFFFFFF;
	p2 =	slt.u32 s8, $0xFFFFF086  }
0x1c: {  	p1 =	slt.u32 s9, $0xF7A;
	s5 =	simm.s32 @!p2 $0x0  }
0x1d: {  	s5 =	simm.s32 @p1 $0x1;
	p0 =	seq.s32 s7, s2  }
0x1e: {  	s7 =	smul.u32 @!p0 $0xF7A, s2;
	p2 =	seq.s32 @!p0 s5, $0x0  }
0x1f: {  	s9 =	smul.u32 $0xF7A, s1;
	s8 =	simm.s32 @!p0 $0x1BF5;
	p2 =	por !p2, p0  }
0x20: {  	[sflag:s8] =	ssyncset.s32 @!p0 $0xFFFFF086;
	s6 =	sadd.s32 @!p0 s3, s7;
	s7 =	simm.s32 @!p0 $0x108  }
0x21: {  	s3 =	sadd.s32 s3, s9;
	s6 =	sadd.s32 @!p0 $0x88, s6;
	s7 =	simm.s32 @p2 $0x1082  }
0x22: {  	[simem:s7], [sflag:s8] =	dma.local @!p0 [hbm:s6], $0xF7A  }
0x23: {  	s9 =	sor.u32 $0xD0000000, s2;
	s6 =	simm.s32 $0x108;
	_ =	swait.ge @!p0 [sflag:s8], $0x0  }
0x24: {  	s3 =	sadd.s32 $0x88, s3;
	s6 =	simm.s32 @!p1 $0x1082;
	[sflag:s4] =	ssyncset.s32 $0xFFFFF086  }
0x25: {  	[simem:s6], [sflag:s4] =	dma.local [hbm:s3], $0xF7A  }
0x26: {  	[smem:$0x3F9F] =	sst s1;
	(tag) =	ssettag s2;
	_ =	strace s9  }
0x27: {  	s1 =	sld [smem:$0x3FAF]  }
0x28: {  	s2 =	sld [smem:$0x3FB0]  }
0x29: {  	s4 =	sld [smem:$0x3FB2]  }
0x2a: {  	p0 =	seq.s32 s5, $0x0;
	s5 =	sld [smem:$0x3FB3]  }
0x2b: {  	s6 =	sld [smem:$0x3FB4]  }
0x2c: {  	s7 =	sld [smem:$0x3FB5]  }
0x2d: {  	s3 =	simm.s32 $0x108;
	s8 =	sld [smem:$0x3FB6]  }
0x2e: {  	s3 =	simm.s32 @!p0 $0x1082;
	s9 =	sld [smem:$0x3FB7]  }
0x2f: {  	lr =	sadd.s32 s0, s3;
	s0 =	sld [smem:$0x3FAE]  }
0x30: {  	s3 =	sld [smem:$0x3FB1]  }
0x31: {  	[smem:$0x3FBA] =	sst s10  }
0x32: {  	s10 =	sld [smem:$0x3FB8];
	_ =	sdelay $0x3  }
0x33: {  	p0 =	seq.s32 s10, $0x1;
	s10 =	sld [smem:$0x3FBA];
	_ =	sdelay $0x3  }
0x34: {  	[smem:$0x3FBA] =	sst s10  }
0x35: {  	s10 =	sld [smem:$0x3FB9];
	_ =	sdelay $0x3  }
0x36: {  	p1 =	seq.s32 s10, $0x1;
	s10 =	sld [smem:$0x3FBA];
	_ =	sdelay $0x3  }
0x37: {  	[smem:$0x3FBA] =	sst s10  }
0x38: {  	s10 =	sld [smem:$0x3FBB]  }
0x39: {  	_ = 	snop;
	(pc) =	sbr.ind lr, $3  }
0x3a: {  	_ = 	snop  }
0x3b: {  	_ = 	snop  }
0x3c: {  	p2 =	seq.s32 s10, $0x1;
	s10 =	sld [smem:$0x3FBA]  }
0x3d: {  	_ =	shalt  }
0x3e: {  	_ =	shalt  }
0x3f: {  	_ =	shalt  }
0x40: {  	_ =	shalt  }
0x41: {  	_ =	shalt  }
0x42: {  	_ =	shalt  }
0x43: {  	_ =	shalt  }
0x44: {  	_ =	shalt  }
0x45: {  	_ =	shalt  }
0x46: {  	_ =	shalt  }
0x47: {  	_ =	shalt  }
0x48: {  	_ =	shalt  }
0x49: {  	_ =	shalt  }
0x4a: {  	_ =	shalt  }
0x4b: {  	_ =	shalt  }
0x4c: {  	_ =	shalt  }
0x4d: {  	_ =	shalt  }
0x4e: {  	_ =	shalt  }
0x4f: {  	_ =	shalt  }
0x50: {  	_ =	shalt  }
0x51: {  	_ =	shalt  }
0x52: {  	_ =	shalt  }
0x53: {  	_ =	shalt  }
0x54: {  	_ =	shalt  }
0x55: {  	_ =	shalt  }
0x56: {  	_ =	shalt  }
0x57: {  	_ =	shalt  }
0x58: {  	_ =	shalt  }
0x59: {  	_ =	shalt  }
0x5a: {  	_ =	shalt  }
0x5b: {  	_ =	shalt  }
0x5c: {  	_ =	shalt  }
0x5d: {  	_ =	shalt  }
0x5e: {  	_ =	shalt  }
0x5f: {  	_ =	shalt  }
0x60: {  	_ =	shalt  }
0x61: {  	_ =	shalt  }
0x62: {  	_ =	shalt  }
0x63: {  	_ =	shalt  }
0x64: {  	_ =	shalt  }
0x65: {  	_ =	shalt  }
0x66: {  	_ =	shalt  }
0x67: {  	_ =	shalt  }
0x68: {  	_ =	shalt  }
0x69: {  	_ =	shalt  }
0x6a: {  	_ =	shalt  }
0x6b: {  	_ =	shalt  }
0x6c: {  	_ =	shalt  }
0x6d: {  	_ =	shalt  }
0x6e: {  	_ =	shalt  }
0x6f: {  	_ =	shalt  }
0x70: {  	_ =	shalt  }
0x71: {  	_ =	shalt  }
0x72: {  	_ =	shalt  }
0x73: {  	_ =	shalt  }
0x74: {  	_ =	shalt  }
0x75: {  	_ =	shalt  }
0x76: {  	_ =	shalt  }
0x77: {  	_ =	shalt  }
0x78: {  	_ =	shalt  }
0x79: {  	_ =	shalt  }
0x7a: {  	_ =	shalt  }
0x7b: {  	_ =	shalt  }
0x7c: {  	_ =	shalt  }
0x7d: {  	_ =	shalt  }
0x7e: {  	_ =	shalt  }
0x7f: {  	_ =	shalt  }
0x80: {  	_ =	shalt  }
0x81: {  	_ =	shalt  }
0x82: {  	_ =	shalt  }
0x83: {  	_ =	shalt  }
0x84: {  	_ =	shalt  }
0x85: {  	_ =	shalt  }
0x86: {  	_ =	shalt  }
0x87: {  	_ =	shalt  }
.Lfunc_end0:
.L_simem_size_0:
called_computation_lowered:
.L_overlay_start_0:
0x88: {  	s2 =	sld [smem:$0x3FD9]  }
0x89: {  	s3 =	sld [smem:$0x3FFE];
	_ =	sdelay $0x1  }
0x8a: {  	s1 =	srdreg.scid  }
0x8b: {  	s0 =	sand.u32 $0x1, s1  }
0x8c: {  	s18 =	sshll.u32 s0, $0xA;
	s2 =	sadd.s32 s3, s2  }
0x8d: {  	s2 =	sadd.s32 s2, s18  }
0x8e: {  	s4 =	simm.s32 $0x0;
	[smem:$0x3FC6] =	sst s2  }
0x8f: {  	[smem:$0xF] =	sst s4  }
0x90: {  	s3 =	sld [smem:$0x3FC9]  }
0x91: {  	s2 =	sld [smem:$0x3FD0];
	(tm) =	ssettm $0x1  }
0x92: {  	s19 =	sld [smem:$0x3FFB];
	_ =	sdelay $0x3  }
0x93: {  	_ =	strace s19  }
0x94: {  	s4 =	sld [smem:$0x3FFC];
	_ =	sdelay $0x3  }
0x95: {  	_ =	strace s4  }
0x96: {  	s4 =	sld [smem:$0x3FFD];
	_ =	sdelay $0x2  }
0x97: {  	s20 =	simm.s32 $0x1B8B;
	s5 =	simm.s32 $0xFFF  }
0x98: {  	s6 =	simm.s32 $0x1B8E;
	p0 =	seq.s32 s0, $0x0;
	_ =	strace s4  }
0x99: {  	s22 =	sshll.u32 s0, $0xD;
	s5 =	simm.s32 @!p0 $0x100;
	_ =	strace $0x8FFFFFFF  }
0x9a: {  	s21 =	sshll.u32 s5, $0x9;
	s5 =	sshll.u32 s5, $0x4;
	_ =	swait.ge [sflag:s20], $0x1  }
0x9b: {  	s5 =	sand.u32 $0x70, s5;
	s4 =	sand.u32 $0x1FF000, s21;
	[sflag:s20] =	ssyncset.done $0x0  }
0x9c: {  	s5 =	sor.u32 s5, s4;
	s4 =	sadd.s32 s22, s2;
	[sflag:s20] =	ssyncadd.s32 $0xFFFFFFFF  }
0x9d: {  	s2 =	simm.s32 $0x9;
	s7 =	sadd.s32 s3, s5;
	[smem:$0x3FD2] =	sst s6  }
0x9e: {  	s5 =	simm.s32 $0x1;
	s6 =	simm.s32 $0x80;
	_ =	strace $0x80000046  }
0x9f: {  	[hbm:s4@s6], [sflag:s2] =	dma.strided [hbm:s7@s6], $0x200, s5, $0x10   }
0xa0: {  	s7 =	simm.s32 $0xFF  }
0xa1: {  	s7 =	simm.s32 @!p0 $0x200  }
0xa2: {  	s8 =	sshll.u32 s7, $0x9;
	s7 =	sshll.u32 s7, $0x4  }
0xa3: {  	s8 =	sand.u32 $0x5F000, s8;
	s7 =	sand.u32 $0x70, s7  }
0xa4: {  	s7 =	sor.u32 s7, s8  }
0xa5: {  	s23 =	sadd.s32 $0x10, s4;
	s7 =	sadd.s32 s3, s7  }
0xa6: {  	[hbm:s23@s6], [sflag:s2] =	dma.strided [hbm:s7@s6], $0x200, s5, $0x10   }
0xa7: {  	s7 =	simm.s32 $0x1FF  }
0xa8: {  	s7 =	simm.s32 @!p0 $0x300  }
0xa9: {  	s24 =	sshll.u32 s7, $0x9;
	s7 =	sshll.u32 s7, $0x4  }
0xaa: {  	s8 =	sand.u32 $0x7F000, s24;
	s7 =	sand.u32 $0x70, s7  }
0xab: {  	s7 =	sor.u32 s7, s8  }
0xac: {  	s25 =	sadd.s32 $0x20, s4;
	s7 =	sadd.s32 s3, s7  }
0xad: {  	[hbm:s25@s6], [sflag:s2] =	dma.strided [hbm:s7@s6], $0x200, s5, $0x10   }
0xae: {  	s7 =	simm.s32 $0x2FF  }
0xaf: {  	s7 =	simm.s32 @!p0 $0x400  }
0xb0: {  	s26 =	sshll.u32 s7, $0x9;
	s7 =	sshll.u32 s7, $0x4  }
0xb1: {  	s8 =	sand.u32 $0xDF000, s26;
	s7 =	sand.u32 $0x70, s7  }
0xb2: {  	s7 =	sor.u32 s7, s8  }
0xb3: {  	s28 =	sadd.s32 $0x30, s4;
	s7 =	sadd.s32 s3, s7  }
0xb4: {  	[hbm:s28@s6], [sflag:s2] =	dma.strided [hbm:s7@s6], $0x200, s5, $0x10   }
0xb5: {  	s7 =	simm.s32 $0x3FF  }
0xb6: {  	s7 =	simm.s32 @!p0 $0x500  }
0xb7: {  	s29 =	sshll.u32 s7, $0x9;
	s7 =	sshll.u32 s7, $0x4  }
0xb8: {  	s8 =	sand.u32 $0xFF000, s29;
	s7 =	sand.u32 $0x70, s7  }
0xb9: {  	s7 =	sor.u32 s7, s8  }
0xba: {  	s30 =	sadd.s32 $0x40, s4;
	s7 =	sadd.s32 s3, s7  }
0xbb: {  	[hbm:s30@s6], [sflag:s2] =	dma.strided [hbm:s7@s6], $0x200, s5, $0x10   }
0xbc: {  	s7 =	simm.s32 $0x4FF  }
0xbd: {  	s7 =	simm.s32 @!p0 $0x600  }
0xbe: {  	s31 =	sshll.u32 s7, $0x9;
	s7 =	sshll.u32 s7, $0x4  }
0xbf: {  	s8 =	sand.u32 $0xDF000, s31;
	s7 =	sand.u32 $0x70, s7  }
0xc0: {  	s7 =	sor.u32 s7, s8  }
0xc1: {  	s9 =	sadd.s32 $0x50, s4;
	s7 =	sadd.s32 s3, s7  }
0xc2: {  	[hbm:s9@s6], [sflag:s2] =	dma.strided [hbm:s7@s6], $0x200, s5, $0x10   }
0xc3: {  	s7 =	simm.s32 $0x5FF  }
0xc4: {  	s7 =	simm.s32 @!p0 $0x700  }
0xc5: {  	s10 =	sshll.u32 s7, $0x9;
	s7 =	sshll.u32 s7, $0x4  }
0xc6: {  	s8 =	sand.u32 $0xFF000, s10;
	s7 =	sand.u32 $0x70, s7  }
0xc7: {  	s7 =	sor.u32 s7, s8  }
0xc8: {  	s11 =	sadd.s32 $0x60, s4;
	s7 =	sadd.s32 s3, s7  }
0xc9: {  	[hbm:s11@s6], [sflag:s2] =	dma.strided [hbm:s7@s6], $0x200, s5, $0x10   }
0xca: {  	s7 =	simm.s32 $0x6FF  }
0xcb: {  	s7 =	simm.s32 @!p0 $0x800  }
0xcc: {  	s12 =	sshll.u32 s7, $0x9;
	s7 =	sshll.u32 s7, $0x4  }
0xcd: {  	s8 =	sand.u32 $0x1DF000, s12;
	s7 =	sand.u32 $0x70, s7  }
0xce: {  	s7 =	sor.u32 s7, s8  }
0xcf: {  	s13 =	sadd.s32 $0x70, s4;
	s7 =	sadd.s32 s3, s7  }
0xd0: {  	[hbm:s13@s6], [sflag:s2] =	dma.strided [hbm:s7@s6], $0x200, s5, $0x10   }
0xd1: {  	s7 =	simm.s32 $0x7FF  }
0xd2: {  	s7 =	simm.s32 @!p0 $0x900  }
0xd3: {  	s14 =	sshll.u32 s7, $0x9;
	s7 =	sshll.u32 s7, $0x4  }
0xd4: {  	s8 =	sand.u32 $0x1FF000, s14;
	s7 =	sand.u32 $0x70, s7  }
0xd5: {  	s7 =	sor.u32 s7, s8  }
0xd6: {  	s15 =	sadd.s32 $0x1000, s4;
	s7 =	sadd.s32 s3, s7  }
0xd7: {  	[hbm:s15@s6], [sflag:s2] =	dma.strided [hbm:s7@s6], $0x200, s5, $0x10   }
0xd8: {  	s7 =	simm.s32 $0x8FF  }
0xd9: {  	s7 =	simm.s32 @!p0 $0xA00  }
0xda: {  	s16 =	sshll.u32 s7, $0x9;
	s7 =	sshll.u32 s7, $0x4  }
0xdb: {  	s8 =	sand.u32 $0x15F000, s16;
	s7 =	sand.u32 $0x70, s7  }
0xdc: {  	s7 =	sor.u32 s7, s8  }
0xdd: {  	s17 =	sadd.s32 $0x1010, s4;
	s7 =	sadd.s32 s3, s7  }
0xde: {  	[hbm:s17@s6], [sflag:s2] =	dma.strided [hbm:s7@s6], $0x200, s5, $0x10   }
0xdf: {  	s7 =	simm.s32 $0x9FF  }
0xe0: {  	s7 =	simm.s32 @!p0 $0xB00  }
0xe1: {  	s18 =	sshll.u32 s7, $0x9;
	s7 =	sshll.u32 s7, $0x4  }
0xe2: {  	s8 =	sand.u32 $0x17F000, s18;
	s7 =	sand.u32 $0x70, s7  }
0xe3: {  	s7 =	sor.u32 s7, s8  }
0xe4: {  	s19 =	sadd.s32 $0x1020, s4;
	s7 =	sadd.s32 s3, s7  }
0xe5: {  	[hbm:s19@s6], [sflag:s2] =	dma.strided [hbm:s7@s6], $0x200, s5, $0x10   }
0xe6: {  	s7 =	simm.s32 $0xAFF  }
0xe7: {  	s7 =	simm.s32 @!p0 $0xC00  }
0xe8: {  	s20 =	sshll.u32 s7, $0x9;
	s7 =	sshll.u32 s7, $0x4  }
0xe9: {  	s8 =	sand.u32 $0x1DF000, s20;
	s7 =	sand.u32 $0x70, s7  }
0xea: {  	s7 =	sor.u32 s7, s8  }
0xeb: {  	s21 =	sadd.s32 $0x1030, s4;
	s7 =	sadd.s32 s3, s7  }
0xec: {  	[hbm:s21@s6], [sflag:s2] =	dma.strided [hbm:s7@s6], $0x200, s5, $0x10   }
0xed: {  	s7 =	simm.s32 $0xBFF  }
0xee: {  	s7 =	simm.s32 @!p0 $0xD00  }
0xef: {  	s22 =	sshll.u32 s7, $0x9;
	s7 =	sshll.u32 s7, $0x4  }
0xf0: {  	s8 =	sand.u32 $0x1FF000, s22;
	s7 =	sand.u32 $0x70, s7  }
0xf1: {  	s7 =	sor.u32 s7, s8  }
0xf2: {  	s23 =	sadd.s32 $0x1040, s4;
	s7 =	sadd.s32 s3, s7  }
0xf3: {  	[hbm:s23@s6], [sflag:s2] =	dma.strided [hbm:s7@s6], $0x200, s5, $0x10   }
0xf4: {  	s7 =	simm.s32 $0xCFF  }
0xf5: {  	s7 =	simm.s32 @!p0 $0xE00  }
0xf6: {  	s24 =	sshll.u32 s7, $0x9;
	s7 =	sshll.u32 s7, $0x4  }
0xf7: {  	s8 =	sand.u32 $0x1DF000, s24;
	s7 =	sand.u32 $0x70, s7  }
0xf8: {  	s7 =	sor.u32 s7, s8  }
0xf9: {  	s25 =	sadd.s32 $0x1050, s4;
	s7 =	sadd.s32 s3, s7  }
0xfa: {  	[hbm:s25@s6], [sflag:s2] =	dma.strided [hbm:s7@s6], $0x200, s5, $0x10   }
0xfb: {  	s7 =	simm.s32 $0xDFF  }
0xfc: {  	s7 =	simm.s32 @!p0 $0xF00  }
0xfd: {  	s26 =	sshll.u32 s7, $0x9;
	s7 =	sshll.u32 s7, $0x4  }
0xfe: {  	s8 =	sand.u32 $0x1FF000, s26;
	s7 =	sand.u32 $0x70, s7  }
0xff: {  	s7 =	sor.u32 s7, s8  }
0x100: {  	s28 =	sadd.s32 $0x1060, s4;
	s7 =	sadd.s32 s3, s7  }
0x101: {  	[hbm:s28@s6], [sflag:s2] =	dma.strided [hbm:s7@s6], $0x200, s5, $0x10   }
0x102: {  	s7 =	simm.s32 $0xEFF  }
0x103: {  	s7 =	simm.s32 @!p0 $0x0  }
0x104: {  	s29 =	sshll.u32 s7, $0x9;
	s7 =	sshll.u32 s7, $0x4  }
0x105: {  	s8 =	sand.u32 $0x1DF000, s29;
	s7 =	sand.u32 $0x70, s7  }
0x106: {  	s7 =	sor.u32 s7, s8  }
0x107: {  	s4 =	sadd.s32 $0x1070, s4;
	s3 =	sadd.s32 s3, s7  }
0x108: {  	[hbm:s4@s6], [sflag:s2] =	dma.strided [hbm:s3@s6], $0x200, s5, $0x10   }
0x109: {  	_ =	swait.ge [sflag:s2], $0x200  }
0x10a: {  	[sflag:s2] =	ssyncset.done $0x0  }
0x10b: {  	[sflag:s2] =	ssyncadd.s32 $0xFFFFFE00;
	_ =	sdelay $0x2  }
0x10c: {  	_ =	swait.ge [sflag:s2], $0x200  }
0x10d: {  	[sflag:s2] =	ssyncset.done $0x0  }
0x10e: {  	[sflag:s2] =	ssyncadd.s32 $0xFFFFFE00;
	_ =	sdelay $0x2  }
0x10f: {  	_ =	swait.ge [sflag:s2], $0x200  }
0x110: {  	[sflag:s2] =	ssyncset.done $0x0  }
0x111: {  	[sflag:s2] =	ssyncadd.s32 $0xFFFFFE00;
	_ =	sdelay $0x2  }
0x112: {  	_ =	swait.ge [sflag:s2], $0x200  }
0x113: {  	[sflag:s2] =	ssyncset.done $0x0  }
0x114: {  	[sflag:s2] =	ssyncadd.s32 $0xFFFFFE00;
	_ =	sdelay $0x2  }
0x115: {  	_ =	swait.ge [sflag:s2], $0x200  }
0x116: {  	[sflag:s2] =	ssyncset.done $0x0  }
0x117: {  	[sflag:s2] =	ssyncadd.s32 $0xFFFFFE00;
	_ =	sdelay $0x2  }
0x118: {  	_ =	swait.ge [sflag:s2], $0x200  }
0x119: {  	[sflag:s2] =	ssyncset.done $0x0  }
0x11a: {  	[sflag:s2] =	ssyncadd.s32 $0xFFFFFE00;
	_ =	sdelay $0x2  }
0x11b: {  	_ =	swait.ge [sflag:s2], $0x200  }
0x11c: {  	[sflag:s2] =	ssyncset.done $0x0  }
0x11d: {  	[sflag:s2] =	ssyncadd.s32 $0xFFFFFE00;
	_ =	sdelay $0x2  }
0x11e: {  	_ =	swait.ge [sflag:s2], $0x200  }
0x11f: {  	[sflag:s2] =	ssyncset.done $0x0  }
0x120: {  	[sflag:s2] =	ssyncadd.s32 $0xFFFFFE00;
	_ =	sdelay $0x2  }
0x121: {  	_ =	swait.ge [sflag:s2], $0x200  }
0x122: {  	[sflag:s2] =	ssyncset.done $0x0  }
0x123: {  	[sflag:s2] =	ssyncadd.s32 $0xFFFFFE00;
	_ =	sdelay $0x2  }
0x124: {  	_ =	swait.ge [sflag:s2], $0x200  }
0x125: {  	[sflag:s2] =	ssyncset.done $0x0  }
0x126: {  	[sflag:s2] =	ssyncadd.s32 $0xFFFFFE00;
	_ =	sdelay $0x2  }
0x127: {  	_ =	swait.ge [sflag:s2], $0x200  }
0x128: {  	[sflag:s2] =	ssyncset.done $0x0  }
0x129: {  	[sflag:s2] =	ssyncadd.s32 $0xFFFFFE00;
	_ =	sdelay $0x2  }
0x12a: {  	_ =	swait.ge [sflag:s2], $0x200  }
0x12b: {  	[sflag:s2] =	ssyncset.done $0x0  }
0x12c: {  	[sflag:s2] =	ssyncadd.s32 $0xFFFFFE00;
	_ =	sdelay $0x2  }
0x12d: {  	_ =	swait.ge [sflag:s2], $0x200  }
0x12e: {  	[sflag:s2] =	ssyncset.done $0x0  }
0x12f: {  	[sflag:s2] =	ssyncadd.s32 $0xFFFFFE00;
	_ =	sdelay $0x2  }
0x130: {  	_ =	swait.ge [sflag:s2], $0x200  }
0x131: {  	[sflag:s2] =	ssyncset.done $0x0  }
0x132: {  	[sflag:s2] =	ssyncadd.s32 $0xFFFFFE00;
	_ =	sdelay $0x2  }
0x133: {  	_ =	swait.ge [sflag:s2], $0x200  }
0x134: {  	[sflag:s2] =	ssyncset.done $0x0  }
0x135: {  	[sflag:s2] =	ssyncadd.s32 $0xFFFFFE00;
	_ =	sdelay $0x2  }
0x136: {  	_ =	swait.ge [sflag:s2], $0x200  }
0x137: {  	[sflag:s2] =	ssyncset.done $0x0  }
0x138: {  	[sflag:s2] =	ssyncadd.s32 $0xFFFFFE00  }
0x139: {  	_ =	strace $0x90000046  }
0x13a: {  	_ =	sfence  }
0x13b: {  	s30 =	sld [smem:$0x0];
	_ =	sdelay $0x2  }
0x13c: {  	s31 =	sshll.u32 s1, $0xD;
	s1 =	sshrl.u32 s1, $0x2  }
0x13d: {  	s3 =	sand.u32 $0x4000, s31;
	s1 =	sadd.s32 s1, s30  }
0x13e: {  	s0 =	sor.u32 s3, s0;
	s1 =	sshll.u32 s1, $0x11  }
0x13f: {  	s0 =	sor.u32 s1, s0  }
0x140: {  	s0 =	sadd.s32 $0x8F2B, s0;
	(pc) =	sbr.abs _section_cstart, $3  }
0x141: {  	[sflag:s0] =	ssyncadd.remote.s32 $0x1  }
0x142: {  	_ =	strace $0x9FFFFFFF  }
0x143: {  	(tm) =	ssettm $0x7FFFFFFF  }

</sc_bundles>
